<compile_context>
chip_gen: v7x
topology: tpu7x:2x2x1
jax: 0.10.2.dev20260603
libtpu: 0.0.44.dev20260713+nightly
codegen_flags: <defaults>
</compile_context>

<pallas_src>
import functools
import numpy as np
import jax
import jax.numpy as jnp
from jax import lax
from jax.experimental import pallas as pl
from jax.experimental.pallas import tpu as pltpu
from jax.experimental.pallas import tpu_sc as plsc

H = 384
W = 384
IN_F = 64
OUT_F = 64
RING_W = 4
MAX_NEIGH = 128
N = H * W
NR = 68
NRP = 72
BLK = 256
NW = 32
CH = 128


def _precompute():
    c0 = np.arange(H, dtype=np.float64) - H / 2.0
    c1 = np.arange(W, dtype=np.float64) - W / 2.0
    X, Y = np.meshgrid(c0, c1, indexing='ij')
    r = np.sqrt(X * X + Y * Y).reshape(-1)
    phi = np.arctan2(X, Y).reshape(-1)
    ring = (r / RING_W).astype(np.int64)
    counts = np.bincount(ring, minlength=NR)
    blocks_per_ring = (counts + BLK - 1) // BLK
    offs = np.zeros(NR + 1, np.int64)
    offs[1:] = np.cumsum(blocks_per_ring * BLK)
    P = int(offs[-1])
    gidx = np.zeros(P, np.int32)
    st = np.zeros((P, 4), np.float32)
    rob, fob = [], []
    nbr_gidx = np.zeros(NR * MAX_NEIGH, np.int32)
    nbr_w = np.zeros((NRP, NR * MAX_NEIGH), np.float32)
    nbr_k = np.ones((NRP, 1), np.float32)
    for rr in range(NR):
        idx = np.nonzero(ring == rr)[0]
        n = idx.size
        o = int(offs[rr])
        gidx[o:o + n] = idx
        st[o:o + n, 0] = r[idx]
        st[o:o + n, 1] = phi[idx]
        st[o:o + n, 2] = 1.0
        for b in range(int(blocks_per_ring[rr])):
            rob.append(rr)
            fob.append(1 if b == 0 else 0)
        if n > MAX_NEIGH:
            rng = np.random.default_rng(rr)
            sel = rng.choice(n - 1, size=MAX_NEIGH, replace=False)
            k = MAX_NEIGH
            nbr_gidx[rr * MAX_NEIGH: rr * MAX_NEIGH + k] = idx[sel]
        else:
            k = n
            nbr_gidx[rr * MAX_NEIGH: rr * MAX_NEIGH + k] = idx
        nbr_w[rr, rr * MAX_NEIGH: rr * MAX_NEIGH + k] = 1.0
        nbr_k[rr, 0] = float(k)
    rob = np.array(rob, np.int32)
    fob = np.array(fob, np.int32)
    inv = np.zeros(N, np.int32)
    valid = st[:, 2] > 0
    inv[gidx[valid]] = np.nonzero(valid)[0].astype(np.int32)
    M_raw = P + NR * MAX_NEIGH
    M = ((M_raw + NW * CH - 1) // (NW * CH)) * (NW * CH)
    idx_all = np.zeros(M, np.int32)
    idx_all[:P] = gidx
    idx_all[P:M_raw] = nbr_gidx
    return dict(P=P, M=M, NB=len(rob), idx_all=idx_all, st=st, rob=rob,
                fob=fob, nbr_w=nbr_w, nbr_k=nbr_k, inv=inv)


_PC = _precompute()


def _sc_gather(tables, idx, n_out):
    nch = n_out // (NW * CH)
    bpw = n_out // NW
    mesh = plsc.VectorSubcoreMesh(core_axis_name="c", subcore_axis_name="s",
                                  num_cores=2, num_subcores=16)
    dims = [t.shape[1] for t in tables]
    out_type = [jax.ShapeDtypeStruct((n_out, d), jnp.float32) for d in dims]
    scratch = [pltpu.VMEM((CH,), jnp.int32)]
    scratch += [pltpu.VMEM((CH, d), jnp.float32) for d in dims]
    scratch += [pltpu.SemaphoreType.DMA]

    @functools.partial(pl.kernel, mesh=mesh, out_type=out_type,
                       scratch_types=scratch,
                       compiler_params=pltpu.CompilerParams(
                           use_tc_tiling_on_sc=False))
    def k(*refs):
        nt = len(dims)
        tabs = refs[:nt]
        idx_hbm = refs[nt]
        outs = refs[nt + 1: 2 * nt + 1]
        idx_v = refs[2 * nt + 1]
        bufs = refs[2 * nt + 2: 3 * nt + 2]
        sem = refs[3 * nt + 2]
        wid = lax.axis_index("s") * 2 + lax.axis_index("c")
        base = wid * bpw

        def body(i, carry):
            off = base + i * CH
            pltpu.sync_copy(idx_hbm.at[pl.ds(off, CH)], idx_v)
            cps = [pltpu.async_copy(t.at[idx_v], b, sem)
                   for t, b in zip(tabs, bufs)]
            for c in cps:
                c.wait()
            for b, o in zip(bufs, outs):
                pltpu.sync_copy(b, o.at[pl.ds(off, CH)])
            return carry

        lax.fori_loop(0, nch, body, 0)

    return k(*tables, idx)


def _dot(a, b):
    return jnp.dot(a, b, preferred_element_type=jnp.float32,
                   precision=lax.Precision.DEFAULT)


def _dot_hi(a, b):
    return jnp.dot(a, b, preferred_element_type=jnp.float32,
                   precision=lax.Precision.HIGHEST)


def _s_kernel(nbr_re, nbr_im, nbr_m, wfull, kcol, w1_re, w1_im):
    def body(nre, nim, nm, wf, kc, w1r, w1i, sre, sim):
        u = (nm[:, 0:1] == 0.0).astype(jnp.float32)
        ur = nre[...] * u
        ui = nim[...] * u
        nw1r = _dot(ur, w1r[...]) - _dot(ui, w1i[...])
        nw1i = _dot(ur, w1i[...]) + _dot(ui, w1r[...])
        sre[...] = _dot_hi(wf[...], nw1r) / kc[...]
        sim[...] = _dot_hi(wf[...], nw1i) / kc[...]

    return pl.pallas_call(
        body,
        out_shape=[jax.ShapeDtypeStruct((NRP, OUT_F), jnp.float32)] * 2,
    )(nbr_re, nbr_im, nbr_m, wfull, kcol, w1_re, w1_im)


def _compute_o(are, aim, m, st, sre, sim, w1r, w1i, w2r, w2i, rid):
    valid = st[:, 2:3]
    mm = m[:, 0:1]
    uncor = (mm == 0.0).astype(jnp.float32) * valid
    cor = (mm == 1.0).astype(jnp.float32) * valid
    un_re = are * uncor
    un_im = aim * uncor
    co_re = are * cor
    co_im = aim * cor
    s_re = sre[pl.ds(rid, 1), :]
    s_im = sim[pl.ds(rid, 1), :]
    mul_re = _dot(un_re, w1r) - _dot(un_im, w1i)
    mul_im = _dot(un_re, w1i) + _dot(un_im, w1r)
    c_re = _dot(co_re, w2r) - _dot(co_im, w2i)
    c_im = _dot(co_re, w2i) + _dot(co_im, w2r)
    uo_re = 0.5 * (mul_re + s_re) * uncor
    uo_im = 0.5 * (mul_im + s_im) * uncor
    o_re = uo_re + (c_re - s_re) * cor
    o_im = uo_im + (c_im - s_im) * cor
    return o_re, o_im


def _pass1(scalars, arrays):
    rob, fob = scalars
    NB = _PC["NB"]

    def body(rob_ref, fob_ref, are, aim, m, st, sre, sim,
             w1r, w1i, w2r, w2i, l1r, l1i, l2r, l2i, g_ref):
        i = pl.program_id(0)
        rid = rob_ref[i]
        o_re, o_im = _compute_o(are[...], aim[...], m[...], st[...],
                                sre, sim, w1r[...], w1i[...],
                                w2r[...], w2i[...], rid)
        ro = st[:, 0:2]
        comb_re = jnp.concatenate([o_re, ro], axis=1)
        comb_im = jnp.concatenate([o_im, jnp.zeros_like(ro)], axis=1)
        m1r = _dot(comb_re, l1r[...]) - _dot(comb_im, l1i[...])
        m1i = _dot(comb_re, l1i[...]) + _dot(comb_im, l1r[...])
        m2r = _dot(comb_re, l2r[...]) - _dot(comb_im, l2i[...])
        m2i = _dot(comb_re, l2i[...]) + _dot(comb_im, l2r[...])
        m1 = jnp.concatenate([m1r, m1i], axis=1)
        m2 = jnp.concatenate([m2r, m2i], axis=1)
        gpart = lax.dot_general(m1, m2, (((0,), (0,)), ((), ())),
                                preferred_element_type=jnp.float32,
                                precision=lax.Precision.DEFAULT)

        @pl.when(fob_ref[i] == 1)
        def _():
            g_ref[...] = gpart[None]

        @pl.when(fob_ref[i] == 0)
        def _():
            g_ref[...] += gpart[None]

    full = lambda shape: pl.BlockSpec(shape, lambda i, *_: (0,) * len(shape))
    rowblk = lambda d: pl.BlockSpec((BLK, d), lambda i, *_: (i, 0))
    grid_spec = pltpu.PrefetchScalarGridSpec(
        num_scalar_prefetch=2,
        grid=(NB,),
        in_specs=[
            rowblk(64), rowblk(64), rowblk(16), rowblk(4),
            full((NRP, OUT_F)), full((NRP, OUT_F)),
            full((IN_F, OUT_F)), full((IN_F, OUT_F)),
            full((IN_F, OUT_F)), full((IN_F, OUT_F)),
            full((IN_F + 2, OUT_F)), full((IN_F + 2, OUT_F)),
            full((IN_F + 2, OUT_F)), full((IN_F + 2, OUT_F)),
        ],
        out_specs=pl.BlockSpec((1, 2 * OUT_F, 2 * OUT_F),
                               lambda i, rob_ref, fob_ref: (rob_ref[i], 0, 0)),
    )
    return pl.pallas_call(
        body,
        grid_spec=grid_spec,
        out_shape=jax.ShapeDtypeStruct((NRP, 2 * OUT_F, 2 * OUT_F),
                                       jnp.float32),
    )(rob, fob, *arrays)


def _att_kernel(g):
    def body(g_ref, mr, mi):
        gg = g_ref[...]
        mr[...] = jax.nn.sigmoid(gg[:, 0:OUT_F, 0:OUT_F]
                                 - gg[:, OUT_F:2 * OUT_F, OUT_F:2 * OUT_F])
        mi[...] = jax.nn.sigmoid(gg[:, 0:OUT_F, OUT_F:2 * OUT_F]
                                 + gg[:, OUT_F:2 * OUT_F, 0:OUT_F])

    return pl.pallas_call(
        body,
        out_shape=[jax.ShapeDtypeStruct((NRP, OUT_F, OUT_F), jnp.float32)] * 2,
    )(g)


def _pass2(scalars, arrays):
    rob, fob = scalars
    NB = _PC["NB"]
    P = _PC["P"]

    def body(rob_ref, fob_ref, are, aim, m, st, sre, sim,
             w1r, w1i, w2r, w2i, mr_ref, mi_ref, fre, fim):
        i = pl.program_id(0)
        rid = rob_ref[i]
        o_re, o_im = _compute_o(are[...], aim[...], m[...], st[...],
                                sre, sim, w1r[...], w1i[...],
                                w2r[...], w2i[...], rid)
        mul_re = mr_ref[0]
        mul_im = mi_ref[0]
        fre[...] = _dot(o_re, mul_re) - _dot(o_im, mul_im)
        fim[...] = _dot(o_re, mul_im) + _dot(o_im, mul_re)

    full = lambda shape: pl.BlockSpec(shape, lambda i, *_: (0,) * len(shape))
    rowblk = lambda d: pl.BlockSpec((BLK, d), lambda i, *_: (i, 0))
    grid_spec = pltpu.PrefetchScalarGridSpec(
        num_scalar_prefetch=2,
        grid=(NB,),
        in_specs=[
            rowblk(64), rowblk(64), rowblk(16), rowblk(4),
            full((NRP, OUT_F)), full((NRP, OUT_F)),
            full((IN_F, OUT_F)), full((IN_F, OUT_F)),
            full((IN_F, OUT_F)), full((IN_F, OUT_F)),
            pl.BlockSpec((1, OUT_F, OUT_F),
                         lambda i, rob_ref, fob_ref: (rob_ref[i], 0, 0)),
            pl.BlockSpec((1, OUT_F, OUT_F),
                         lambda i, rob_ref, fob_ref: (rob_ref[i], 0, 0)),
        ],
        out_specs=[
            pl.BlockSpec((BLK, OUT_F), lambda i, *_: (i, 0)),
            pl.BlockSpec((BLK, OUT_F), lambda i, *_: (i, 0)),
        ],
    )
    return pl.pallas_call(
        body,
        grid_spec=grid_spec,
        out_shape=[jax.ShapeDtypeStruct((P, OUT_F), jnp.float32)] * 2,
    )(rob, fob, *arrays)


def kernel(input_image_re, input_image_im, input_mask, output_re, output_im,
           w1_re, w1_im, w2_re, w2_im, L1_re, L1_im, L2_re, L2_im):
    pc = _PC
    P, M = pc["P"], pc["M"]
    a_re = input_image_re.reshape(N, IN_F)
    a_im = input_image_im.reshape(N, IN_F)
    mask_t = jnp.tile(input_mask.reshape(N, 1).astype(jnp.float32), (1, 16))
    idx_all = jnp.asarray(pc["idx_all"])
    g_re, g_im, g_m = _sc_gather([a_re, a_im, mask_t], idx_all, M)

    nbr_re = lax.slice(g_re, (P, 0), (P + NR * MAX_NEIGH, IN_F))
    nbr_im = lax.slice(g_im, (P, 0), (P + NR * MAX_NEIGH, IN_F))
    nbr_m = lax.slice(g_m, (P, 0), (P + NR * MAX_NEIGH, 16))
    wfull = jnp.asarray(pc["nbr_w"])
    kcol = jnp.asarray(pc["nbr_k"])
    s_re, s_im = _s_kernel(nbr_re, nbr_im, nbr_m, wfull, kcol, w1_re, w1_im)

    rob = jnp.asarray(pc["rob"])
    fob = jnp.asarray(pc["fob"])
    st = jnp.asarray(pc["st"])
    g = _pass1((rob, fob),
               [g_re, g_im, g_m, st, s_re, s_im,
                w1_re, w1_im, w2_re, w2_im, L1_re, L1_im, L2_re, L2_im])
    mul_r, mul_i = _att_kernel(g)
    f_re, f_im = _pass2((rob, fob),
                        [g_re, g_im, g_m, st, s_re, s_im,
                         w1_re, w1_im, w2_re, w2_im, mul_r, mul_i])

    inv = jnp.asarray(pc["inv"])
    out_re, out_im = _sc_gather([f_re, f_im], inv, N)
    out_re = out_re.reshape(H, W, OUT_F)
    out_im = out_im.reshape(H, W, OUT_F)
    return out_re + 1j * out_im

# --- scband reference (transcript-rebuilt; emitter-appended) ---
"""Pipeline reference for scband-fgnn-46531675685504 (READ-ONLY COPY).

The authoritative reference and input builder live on the scoring server;
editing this copy changes nothing except your own understanding.
"""

import jax, jax.numpy as jnp
import numpy as np

H = 384
W = 384
IN_F = 64
OUT_F = 64
RING_W = 4
MAX_NEIGH = 128


def _grid():
    c0 = np.arange(H, dtype=np.float64) - H / 2.0
    c1 = np.arange(W, dtype=np.float64) - W / 2.0
    X, Y = np.meshgrid(c0, c1, indexing='ij')
    r = np.sqrt(X * X + Y * Y)
    phi = np.arctan2(X, Y)
    return r.reshape(-1), phi.reshape(-1)


def _iter_r():
    len_r = int(np.sqrt((H / 2.0) ** 2 + (W / 2.0) ** 2)) + 1
    return len_r // RING_W + (1 if len_r % RING_W != 0 else 0)


def _cmm(a_re, a_im, b_re, b_im):
    return a_re @ b_re - a_im @ b_im, a_re @ b_im + a_im @ b_re


def _fatt(h_re, h_im, ro_theta, L1_re, L1_im, L2_re, L2_im):
    comb_re = jnp.concatenate([h_re, ro_theta], axis=1)
    comb_im = jnp.concatenate([h_im, jnp.zeros_like(ro_theta)], axis=1)
    m1_re, m1_im = _cmm(comb_re, comb_im, L1_re, L1_im)
    m2_re, m2_im = _cmm(comb_re, comb_im, L2_re, L2_im)
    mul_re = m1_re.T @ m2_re - m1_im.T @ m2_im
    mul_im = m1_re.T @ m2_im + m1_im.T @ m2_re
    mul_re = jax.nn.sigmoid(mul_re)
    mul_im = jax.nn.sigmoid(mul_im)
    return _cmm(h_re, h_im, mul_re, mul_im)


def _core(img_re, img_im, mask_np, out0_re, out0_im,
          w1_re, w1_im, w2_re, w2_im, L1_re, L1_im, L2_re, L2_im):
    r_flat, phi_flat = _grid()
    img_re = img_re.reshape(-1, IN_F)
    img_im = img_im.reshape(-1, IN_F)
    mask_f = mask_np.reshape(-1)
    idx_all, res_re, res_im = [], [], []
    for rr in range(_iter_r()):
        idx = np.nonzero((r_flat >= rr * RING_W) & (r_flat < (rr + 1) * RING_W))[0]
        if idx.size == 0:
            continue
        a_re = img_re[idx]
        a_im = img_im[idx]
        uncor = jnp.asarray((mask_f[idx] == 0).astype(np.float32))[:, None]
        cor = jnp.asarray((mask_f[idx] == 1).astype(np.float32))[:, None]
        un_re = a_re * uncor
        un_im = a_im * uncor
        co_re = a_re * cor
        co_im = a_im * cor
        num_a = int(idx.size)
        ro_theta = jnp.asarray(np.stack([r_flat[idx], phi_flat[idx]], axis=-1).astype(np.float32))
        if num_a > MAX_NEIGH:
            rng = np.random.default_rng(rr)
            sel = rng.choice(num_a - 1, size=MAX_NEIGH, replace=False)
            nb_re, nb_im = un_re[sel], un_im[sel]
        else:
            nb_re, nb_im = un_re, un_im
        mul_re, mul_im = _cmm(un_re, un_im, w1_re, w1_im)
        s_re, s_im = _cmm(nb_re, nb_im, w1_re, w1_im)
        s_re = jnp.mean(s_re, axis=0, keepdims=True)
        s_im = jnp.mean(s_im, axis=0, keepdims=True)
        uo_re = 0.5 * (mul_re + s_re) * uncor
        uo_im = 0.5 * (mul_im + s_im) * uncor
        c_re, c_im = _cmm(co_re, co_im, w2_re, w2_im)
        co_out_re = (c_re - s_re) * cor
        co_out_im = (c_im - s_im) * cor
        o_re = uo_re + co_out_re
        o_im = uo_im + co_out_im
        f_re, f_im = _fatt(o_re, o_im, ro_theta, L1_re, L1_im, L2_re, L2_im)
        idx_all.append(idx)
        res_re.append(f_re)
        res_im.append(f_im)
    all_idx = np.concatenate(idx_all)
    out_re = out0_re.reshape(-1, OUT_F).at[all_idx].set(jnp.concatenate(res_re, axis=0))
    out_im = out0_im.reshape(-1, OUT_F).at[all_idx].set(jnp.concatenate(res_im, axis=0))
    return out_re.reshape(H, W, OUT_F), out_im.reshape(H, W, OUT_F)


def setup_inputs(seed: int = 0):
    key = jax.random.key(seed)
    ks = jax.random.split(key, 12)
    return {
        "input_image_re": jax.random.normal(ks[0], (H, W, IN_F), dtype=jnp.float32),
        "input_image_im": jax.random.normal(ks[1], (H, W, IN_F), dtype=jnp.float32),
        "input_mask": jax.random.randint(ks[2], (H, W), 0, 2, dtype=jnp.int32),
        "output_re": jnp.zeros((H, W, OUT_F), dtype=jnp.float32),
        "output_im": jnp.zeros((H, W, OUT_F), dtype=jnp.float32),
        "w1_re": jax.random.normal(ks[3], (IN_F, OUT_F), dtype=jnp.float32),
        "w1_im": jax.random.normal(ks[4], (IN_F, OUT_F), dtype=jnp.float32),
        "w2_re": jax.random.normal(ks[5], (IN_F, OUT_F), dtype=jnp.float32),
        "w2_im": jax.random.normal(ks[6], (IN_F, OUT_F), dtype=jnp.float32),
        "L1_re": jax.random.normal(ks[7], (OUT_F + 2, OUT_F), dtype=jnp.float32),
        "L1_im": jax.random.normal(ks[8], (OUT_F + 2, OUT_F), dtype=jnp.float32),
        "L2_re": jax.random.normal(ks[9], (OUT_F + 2, OUT_F), dtype=jnp.float32),
        "L2_im": jax.random.normal(ks[10], (OUT_F + 2, OUT_F), dtype=jnp.float32),
    }


def reference(input_image_re, input_image_im, input_mask, output_re, output_im,
              w1_re, w1_im, w2_re, w2_im, L1_re, L1_im, L2_re, L2_im):
    mask_np = input_mask
    out_re, out_im = _core(input_image_re, input_image_im, mask_np, output_re, output_im,
                           w1_re, w1_im, w2_re, w2_im, L1_re, L1_im, L2_re, L2_im)
    return out_re + 1j * out_im

if __name__ == "__main__":
    import jax
    _d = setup_inputs()
    print(jax.jit(kernel)(*tuple(_d.values())))

</pallas_src>

<mosaic_0001>
#map = affine_map<(d0, d1) -> (0, 0)>
#map1 = affine_map<(d0, d1) -> (0)>
module attributes {stable_mosaic.version = 14 : i64} {
  func.func @k(%arg0: i32, %arg1: i32, %arg2: memref<155904x64xf32, #tpu.memory_space<hbm>>, %arg3: memref<155904x64xf32, #tpu.memory_space<hbm>>, %arg4: memref<147456xi32, #tpu.memory_space<hbm>>, %arg5: memref<147456x64xf32, #tpu.memory_space<hbm>>, %arg6: memref<147456x64xf32, #tpu.memory_space<hbm>>, %arg7: memref<128xi32, #tpu.memory_space<vmem>>, %arg8: memref<128x64xf32, #tpu.memory_space<vmem>>, %arg9: memref<128x64xf32, #tpu.memory_space<vmem>>, %arg10: memref<!tpu.dma_semaphore, #tpu.memory_space<semaphore_mem>>) attributes {dimension_semantics = [#tpu.dimension_semantics<core_parallel>, #tpu.dimension_semantics<subcore_parallel>], iteration_bounds = array<i64: 2, 16>, scalar_prefetch = 0 : i64, scratch_operands = 4 : i64, tpu.core_type = #tpu.core_type<sc_vector_subcore>, window_params = [{transform_indices = #map}, {transform_indices = #map}, {transform_indices = #map1}, {transform_indices = #map}, {transform_indices = #map}]} {
    %mul3A = arith.constant 2 : i32
    %mul3A_0 = arith.muli %arg1, %mul3A : i32
    %add3A = arith.addi %mul3A_0, %arg0 : i32
    %mul3A_1 = arith.constant 4608 : i32
    %mul3A_2 = arith.muli %add3A, %mul3A_1 : i32
    %scan3A = arith.constant 0 : i32
    %scan3A_3 = arith.constant 0 : i32
    %scan3A_4 = arith.constant 36 : i32
    %scan3A_5 = arith.addi %scan3A_3, %scan3A_4 : i32
    %scan3A_6 = arith.constant 1 : i32
    scf.for %scan3A_8 = %scan3A_3 to %scan3A_5 step %scan3A_6  : i32 {
      %mul3A_9 = arith.constant 128 : i32
      %mul3A_10 = arith.muli %scan3A_8, %mul3A_9 : i32
      %add3A_11 = arith.addi %mul3A_2, %mul3A_10 : i32
      "tpu.region"() ({
        %run_scoped3A = tpu.sem_alloc : memref<!tpu.dma_semaphore, #tpu.memory_space<semaphore_mem>>
        %dma_start3A_22 = tpu.memref_slice %arg4[%add3A_11] : memref<147456xi32, #tpu.memory_space<hbm>> -> memref<128xi32, #tpu.memory_space<hbm>>
        %dma_start3A_23 = tpu.memref_slice %arg4[%add3A_11] : memref<147456xi32, #tpu.memory_space<hbm>> -> memref<128xi32, #tpu.memory_space<hbm>>
        tpu.enqueue_dma source(%dma_start3A_23 : memref<128xi32, #tpu.memory_space<hbm>>) target(%arg7 : memref<128xi32, #tpu.memory_space<vmem>>) target_semaphore(%run_scoped3A : memref<!tpu.dma_semaphore, #tpu.memory_space<semaphore_mem>>)
        %dma_wait3A_24 = tpu.memref_slice %arg4[%add3A_11] : memref<147456xi32, #tpu.memory_space<hbm>> -> memref<128xi32, #tpu.memory_space<hbm>>
        %dma_wait3A_25 = tpu.memref_slice %arg4[%add3A_11] : memref<147456xi32, #tpu.memory_space<hbm>> -> memref<128xi32, #tpu.memory_space<hbm>>
        tpu.wait_dma2 semaphore(%run_scoped3A : memref<!tpu.dma_semaphore, #tpu.memory_space<semaphore_mem>>) src(%dma_wait3A_25 : memref<128xi32, #tpu.memory_space<hbm>>) dst(%arg7 : memref<128xi32, #tpu.memory_space<vmem>>)
        tpu.yield
      }) : () -> ()
      %dma_start3A = arith.constant 0 : i32
      %dma_start3A_12 = arith.constant 0 : i32
      %dma_start3A_13 = tpu.memref_slice %arg2[%dma_start3A, %dma_start3A_12] : memref<155904x64xf32, #tpu.memory_space<hbm>> -> memref<155904x64xf32, #tpu.memory_space<hbm>>
      tpu.enqueue_indirect_dma source(%dma_start3A_13 : memref<155904x64xf32, #tpu.memory_space<hbm>>) target(%arg8 : memref<128x64xf32, #tpu.memory_space<vmem>>) offsets(%arg7 : memref<128xi32, #tpu.memory_space<vmem>>) semaphore(%arg10 : memref<!tpu.dma_semaphore, #tpu.memory_space<semaphore_mem>>)
      %dma_start3A_14 = arith.constant 0 : i32
      %dma_start3A_15 = arith.constant 0 : i32
      %dma_start3A_16 = tpu.memref_slice %arg3[%dma_start3A_14, %dma_start3A_15] : memref<155904x64xf32, #tpu.memory_space<hbm>> -> memref<155904x64xf32, #tpu.memory_space<hbm>>
      tpu.enqueue_indirect_dma source(%dma_start3A_16 : memref<155904x64xf32, #tpu.memory_space<hbm>>) target(%arg9 : memref<128x64xf32, #tpu.memory_space<vmem>>) offsets(%arg7 : memref<128xi32, #tpu.memory_space<vmem>>) semaphore(%arg10 : memref<!tpu.dma_semaphore, #tpu.memory_space<semaphore_mem>>)
      %dma_wait3A = arith.constant 0 : i32
      %dma_wait3A_17 = arith.constant 0 : i32
      %dma_wait3A_18 = tpu.memref_slice %arg2[%dma_wait3A, %dma_wait3A_17] : memref<155904x64xf32, #tpu.memory_space<hbm>> -> memref<155904x64xf32, #tpu.memory_space<hbm>>
      tpu.wait_indirect_dma semaphore(%arg10 : memref<!tpu.dma_semaphore, #tpu.memory_space<semaphore_mem>>) src(%dma_wait3A_18 : memref<155904x64xf32, #tpu.memory_space<hbm>>) dst(%arg8 : memref<128x64xf32, #tpu.memory_space<vmem>>)
      %dma_wait3A_19 = arith.constant 0 : i32
      %dma_wait3A_20 = arith.constant 0 : i32
      %dma_wait3A_21 = tpu.memref_slice %arg3[%dma_wait3A_19, %dma_wait3A_20] : memref<155904x64xf32, #tpu.memory_space<hbm>> -> memref<155904x64xf32, #tpu.memory_space<hbm>>
      tpu.wait_indirect_dma semaphore(%arg10 : memref<!tpu.dma_semaphore, #tpu.memory_space<semaphore_mem>>) src(%dma_wait3A_21 : memref<155904x64xf32, #tpu.memory_space<hbm>>) dst(%arg9 : memref<128x64xf32, #tpu.memory_space<vmem>>)
      "tpu.region"() ({
        %run_scoped3A = tpu.sem_alloc : memref<!tpu.dma_semaphore, #tpu.memory_space<semaphore_mem>>
        %dma_start3A_22 = arith.constant 0 : i32
        %dma_start3A_23 = tpu.memref_slice %arg5[%add3A_11, %dma_start3A_22] : memref<147456x64xf32, #tpu.memory_space<hbm>> -> memref<128x64xf32, #tpu.memory_space<hbm>>
        %dma_start3A_24 = arith.constant 0 : i32
        %dma_start3A_25 = tpu.memref_slice %arg5[%add3A_11, %dma_start3A_24] : memref<147456x64xf32, #tpu.memory_space<hbm>> -> memref<128x64xf32, #tpu.memory_space<hbm>>
        tpu.enqueue_dma source(%arg8 : memref<128x64xf32, #tpu.memory_space<vmem>>) target(%dma_start3A_25 : memref<128x64xf32, #tpu.memory_space<hbm>>) target_semaphore(%run_scoped3A : memref<!tpu.dma_semaphore, #tpu.memory_space<semaphore_mem>>)
        %dma_wait3A_26 = arith.constant 0 : i32
        %dma_wait3A_27 = tpu.memref_slice %arg5[%add3A_11, %dma_wait3A_26] : memref<147456x64xf32, #tpu.memory_space<hbm>> -> memref<128x64xf32, #tpu.memory_space<hbm>>
        %dma_wait3A_28 = arith.constant 0 : i32
        %dma_wait3A_29 = tpu.memref_slice %arg5[%add3A_11, %dma_wait3A_28] : memref<147456x64xf32, #tpu.memory_space<hbm>> -> memref<128x64xf32, #tpu.memory_space<hbm>>
        tpu.wait_dma2 semaphore(%run_scoped3A : memref<!tpu.dma_semaphore, #tpu.memory_space<semaphore_mem>>) src(%arg8 : memref<128x64xf32, #tpu.memory_space<vmem>>) dst(%dma_wait3A_29 : memref<128x64xf32, #tpu.memory_space<hbm>>)
        tpu.yield
      }) : () -> ()
      "tpu.region"() ({
        %run_scoped3A = tpu.sem_alloc : memref<!tpu.dma_semaphore, #tpu.memory_space<semaphore_mem>>
        %dma_start3A_22 = arith.constant 0 : i32
        %dma_start3A_23 = tpu.memref_slice %arg6[%add3A_11, %dma_start3A_22] : memref<147456x64xf32, #tpu.memory_space<hbm>> -> memref<128x64xf32, #tpu.memory_space<hbm>>
        %dma_start3A_24 = arith.constant 0 : i32
        %dma_start3A_25 = tpu.memref_slice %arg6[%add3A_11, %dma_start3A_24] : memref<147456x64xf32, #tpu.memory_space<hbm>> -> memref<128x64xf32, #tpu.memory_space<hbm>>
        tpu.enqueue_dma source(%arg9 : memref<128x64xf32, #tpu.memory_space<vmem>>) target(%dma_start3A_25 : memref<128x64xf32, #tpu.memory_space<hbm>>) target_semaphore(%run_scoped3A : memref<!tpu.dma_semaphore, #tpu.memory_space<semaphore_mem>>)
        %dma_wait3A_26 = arith.constant 0 : i32
        %dma_wait3A_27 = tpu.memref_slice %arg6[%add3A_11, %dma_wait3A_26] : memref<147456x64xf32, #tpu.memory_space<hbm>> -> memref<128x64xf32, #tpu.memory_space<hbm>>
        %dma_wait3A_28 = arith.constant 0 : i32
        %dma_wait3A_29 = tpu.memref_slice %arg6[%add3A_11, %dma_wait3A_28] : memref<147456x64xf32, #tpu.memory_space<hbm>> -> memref<128x64xf32, #tpu.memory_space<hbm>>
        tpu.wait_dma2 semaphore(%run_scoped3A : memref<!tpu.dma_semaphore, #tpu.memory_space<semaphore_mem>>) src(%arg9 : memref<128x64xf32, #tpu.memory_space<vmem>>) dst(%dma_wait3A_29 : memref<128x64xf32, #tpu.memory_space<hbm>>)
        tpu.yield
      }) : () -> ()
    }
    %scan3A_7 = arith.constant 36 : i32
    return
  }
}

#map = affine_map<(d0, d1) -> (0, 0)>
#map1 = affine_map<(d0, d1) -> (0)>
module attributes {stable_mosaic.version = 14 : i64} {
  func.func @k(%arg0: i32, %arg1: i32, %arg2: memref<147456x64xf32, #tpu.memory_space<hbm>>, %arg3: memref<147456x64xf32, #tpu.memory_space<hbm>>, %arg4: memref<147456x16xf32, #tpu.memory_space<hbm>>, %arg5: memref<167936xi32, #tpu.memory_space<hbm>>, %arg6: memref<167936x64xf32, #tpu.memory_space<hbm>>, %arg7: memref<167936x64xf32, #tpu.memory_space<hbm>>, %arg8: memref<167936x16xf32, #tpu.memory_space<hbm>>, %arg9: memref<128xi32, #tpu.memory_space<vmem>>, %arg10: memref<128x64xf32, #tpu.memory_space<vmem>>, %arg11: memref<128x64xf32, #tpu.memory_space<vmem>>, %arg12: memref<128x16xf32, #tpu.memory_space<vmem>>, %arg13: memref<!tpu.dma_semaphore, #tpu.memory_space<semaphore_mem>>) attributes {dimension_semantics = [#tpu.dimension_semantics<core_parallel>, #tpu.dimension_semantics<subcore_parallel>], iteration_bounds = array<i64: 2, 16>, scalar_prefetch = 0 : i64, scratch_operands = 5 : i64, tpu.core_type = #tpu.core_type<sc_vector_subcore>, window_params = [{transform_indices = #map}, {transform_indices = #map}, {transform_indices = #map}, {transform_indices = #map1}, {transform_indices = #map}, {transform_indices = #map}, {transform_indices = #map}]} {
    %mul3A = arith.constant 2 : i32
    %mul3A_0 = arith.muli %arg1, %mul3A : i32
    %add3A = arith.addi %mul3A_0, %arg0 : i32
    %mul3A_1 = arith.constant 5248 : i32
    %mul3A_2 = arith.muli %add3A, %mul3A_1 : i32
    %scan3A = arith.constant 0 : i32
    %scan3A_3 = arith.constant 0 : i32
    %scan3A_4 = arith.constant 41 : i32
    %scan3A_5 = arith.addi %scan3A_3, %scan3A_4 : i32
    %scan3A_6 = arith.constant 1 : i32
    scf.for %scan3A_8 = %scan3A_3 to %scan3A_5 step %scan3A_6  : i32 {
      %mul3A_9 = arith.constant 128 : i32
      %mul3A_10 = arith.muli %scan3A_8, %mul3A_9 : i32
      %add3A_11 = arith.addi %mul3A_2, %mul3A_10 : i32
      "tpu.region"() ({
        %run_scoped3A = tpu.sem_alloc : memref<!tpu.dma_semaphore, #tpu.memory_space<semaphore_mem>>
        %dma_start3A_28 = tpu.memref_slice %arg5[%add3A_11] : memref<167936xi32, #tpu.memory_space<hbm>> -> memref<128xi32, #tpu.memory_space<hbm>>
        %dma_start3A_29 = tpu.memref_slice %arg5[%add3A_11] : memref<167936xi32, #tpu.memory_space<hbm>> -> memref<128xi32, #tpu.memory_space<hbm>>
        tpu.enqueue_dma source(%dma_start3A_29 : memref<128xi32, #tpu.memory_space<hbm>>) target(%arg9 : memref<128xi32, #tpu.memory_space<vmem>>) target_semaphore(%run_scoped3A : memref<!tpu.dma_semaphore, #tpu.memory_space<semaphore_mem>>)
        %dma_wait3A_30 = tpu.memref_slice %arg5[%add3A_11] : memref<167936xi32, #tpu.memory_space<hbm>> -> memref<128xi32, #tpu.memory_space<hbm>>
        %dma_wait3A_31 = tpu.memref_slice %arg5[%add3A_11] : memref<167936xi32, #tpu.memory_space<hbm>> -> memref<128xi32, #tpu.memory_space<hbm>>
        tpu.wait_dma2 semaphore(%run_scoped3A : memref<!tpu.dma_semaphore, #tpu.memory_space<semaphore_mem>>) src(%dma_wait3A_31 : memref<128xi32, #tpu.memory_space<hbm>>) dst(%arg9 : memref<128xi32, #tpu.memory_space<vmem>>)
        tpu.yield
      }) : () -> ()
      %dma_start3A = arith.constant 0 : i32
      %dma_start3A_12 = arith.constant 0 : i32
      %dma_start3A_13 = tpu.memref_slice %arg2[%dma_start3A, %dma_start3A_12] : memref<147456x64xf32, #tpu.memory_space<hbm>> -> memref<147456x64xf32, #tpu.memory_space<hbm>>
      tpu.enqueue_indirect_dma source(%dma_start3A_13 : memref<147456x64xf32, #tpu.memory_space<hbm>>) target(%arg10 : memref<128x64xf32, #tpu.memory_space<vmem>>) offsets(%arg9 : memref<128xi32, #tpu.memory_space<vmem>>) semaphore(%arg13 : memref<!tpu.dma_semaphore, #tpu.memory_space<semaphore_mem>>)
      %dma_start3A_14 = arith.constant 0 : i32
      %dma_start3A_15 = arith.constant 0 : i32
      %dma_start3A_16 = tpu.memref_slice %arg3[%dma_start3A_14, %dma_start3A_15] : memref<147456x64xf32, #tpu.memory_space<hbm>> -> memref<147456x64xf32, #tpu.memory_space<hbm>>
      tpu.enqueue_indirect_dma source(%dma_start3A_16 : memref<147456x64xf32, #tpu.memory_space<hbm>>) target(%arg11 : memref<128x64xf32, #tpu.memory_space<vmem>>) offsets(%arg9 : memref<128xi32, #tpu.memory_space<vmem>>) semaphore(%arg13 : memref<!tpu.dma_semaphore, #tpu.memory_space<semaphore_mem>>)
      %dma_start3A_17 = arith.constant 0 : i32
      %dma_start3A_18 = arith.constant 0 : i32
      %dma_start3A_19 = tpu.memref_slice %arg4[%dma_start3A_17, %dma_start3A_18] : memref<147456x16xf32, #tpu.memory_space<hbm>> -> memref<147456x16xf32, #tpu.memory_space<hbm>>
      tpu.enqueue_indirect_dma source(%dma_start3A_19 : memref<147456x16xf32, #tpu.memory_space<hbm>>) target(%arg12 : memref<128x16xf32, #tpu.memory_space<vmem>>) offsets(%arg9 : memref<128xi32, #tpu.memory_space<vmem>>) semaphore(%arg13 : memref<!tpu.dma_semaphore, #tpu.memory_space<semaphore_mem>>)
      %dma_wait3A = arith.constant 0 : i32
      %dma_wait3A_20 = arith.constant 0 : i32
      %dma_wait3A_21 = tpu.memref_slice %arg2[%dma_wait3A, %dma_wait3A_20] : memref<147456x64xf32, #tpu.memory_space<hbm>> -> memref<147456x64xf32, #tpu.memory_space<hbm>>
      tpu.wait_indirect_dma semaphore(%arg13 : memref<!tpu.dma_semaphore, #tpu.memory_space<semaphore_mem>>) src(%dma_wait3A_21 : memref<147456x64xf32, #tpu.memory_space<hbm>>) dst(%arg10 : memref<128x64xf32, #tpu.memory_space<vmem>>)
      %dma_wait3A_22 = arith.constant 0 : i32
      %dma_wait3A_23 = arith.constant 0 : i32
      %dma_wait3A_24 = tpu.memref_slice %arg3[%dma_wait3A_22, %dma_wait3A_23] : memref<147456x64xf32, #tpu.memory_space<hbm>> -> memref<147456x64xf32, #tpu.memory_space<hbm>>
      tpu.wait_indirect_dma semaphore(%arg13 : memref<!tpu.dma_semaphore, #tpu.memory_space<semaphore_mem>>) src(%dma_wait3A_24 : memref<147456x64xf32, #tpu.memory_space<hbm>>) dst(%arg11 : memref<128x64xf32, #tpu.memory_space<vmem>>)
      %dma_wait3A_25 = arith.constant 0 : i32
      %dma_wait3A_26 = arith.constant 0 : i32
      %dma_wait3A_27 = tpu.memref_slice %arg4[%dma_wait3A_25, %dma_wait3A_26] : memref<147456x16xf32, #tpu.memory_space<hbm>> -> memref<147456x16xf32, #tpu.memory_space<hbm>>
      tpu.wait_indirect_dma semaphore(%arg13 : memref<!tpu.dma_semaphore, #tpu.memory_space<semaphore_mem>>) src(%dma_wait3A_27 : memref<147456x16xf32, #tpu.memory_space<hbm>>) dst(%arg12 : memref<128x16xf32, #tpu.memory_space<vmem>>)
      "tpu.region"() ({
        %run_scoped3A = tpu.sem_alloc : memref<!tpu.dma_semaphore, #tpu.memory_space<semaphore_mem>>
        %dma_start3A_28 = arith.constant 0 : i32
        %dma_start3A_29 = tpu.memref_slice %arg6[%add3A_11, %dma_start3A_28] : memref<167936x64xf32, #tpu.memory_space<hbm>> -> memref<128x64xf32, #tpu.memory_space<hbm>>
        %dma_start3A_30 = arith.constant 0 : i32
        %dma_start3A_31 = tpu.memref_slice %arg6[%add3A_11, %dma_start3A_30] : memref<167936x64xf32, #tpu.memory_space<hbm>> -> memref<128x64xf32, #tpu.memory_space<hbm>>
        tpu.enqueue_dma source(%arg10 : memref<128x64xf32, #tpu.memory_space<vmem>>) target(%dma_start3A_31 : memref<128x64xf32, #tpu.memory_space<hbm>>) target_semaphore(%run_scoped3A : memref<!tpu.dma_semaphore, #tpu.memory_space<semaphore_mem>>)
        %dma_wait3A_32 = arith.constant 0 : i32
        %dma_wait3A_33 = tpu.memref_slice %arg6[%add3A_11, %dma_wait3A_32] : memref<167936x64xf32, #tpu.memory_space<hbm>> -> memref<128x64xf32, #tpu.memory_space<hbm>>
        %dma_wait3A_34 = arith.constant 0 : i32
        %dma_wait3A_35 = tpu.memref_slice %arg6[%add3A_11, %dma_wait3A_34] : memref<167936x64xf32, #tpu.memory_space<hbm>> -> memref<128x64xf32, #tpu.memory_space<hbm>>
        tpu.wait_dma2 semaphore(%run_scoped3A : memref<!tpu.dma_semaphore, #tpu.memory_space<semaphore_mem>>) src(%arg10 : memref<128x64xf32, #tpu.memory_space<vmem>>) dst(%dma_wait3A_35 : memref<128x64xf32, #tpu.memory_space<hbm>>)
        tpu.yield
      }) : () -> ()
      "tpu.region"() ({
        %run_scoped3A = tpu.sem_alloc : memref<!tpu.dma_semaphore, #tpu.memory_space<semaphore_mem>>
        %dma_start3A_28 = arith.constant 0 : i32
        %dma_start3A_29 = tpu.memref_slice %arg7[%add3A_11, %dma_start3A_28] : memref<167936x64xf32, #tpu.memory_space<hbm>> -> memref<128x64xf32, #tpu.memory_space<hbm>>
        %dma_start3A_30 = arith.constant 0 : i32
        %dma_start3A_31 = tpu.memref_slice %arg7[%add3A_11, %dma_start3A_30] : memref<167936x64xf32, #tpu.memory_space<hbm>> -> memref<128x64xf32, #tpu.memory_space<hbm>>
        tpu.enqueue_dma source(%arg11 : memref<128x64xf32, #tpu.memory_space<vmem>>) target(%dma_start3A_31 : memref<128x64xf32, #tpu.memory_space<hbm>>) target_semaphore(%run_scoped3A : memref<!tpu.dma_semaphore, #tpu.memory_space<semaphore_mem>>)
        %dma_wait3A_32 = arith.constant 0 : i32
        %dma_wait3A_33 = tpu.memref_slice %arg7[%add3A_11, %dma_wait3A_32] : memref<167936x64xf32, #tpu.memory_space<hbm>> -> memref<128x64xf32, #tpu.memory_space<hbm>>
        %dma_wait3A_34 = arith.constant 0 : i32
        %dma_wait3A_35 = tpu.memref_slice %arg7[%add3A_11, %dma_wait3A_34] : memref<167936x64xf32, #tpu.memory_space<hbm>> -> memref<128x64xf32, #tpu.memory_space<hbm>>
        tpu.wait_dma2 semaphore(%run_scoped3A : memref<!tpu.dma_semaphore, #tpu.memory_space<semaphore_mem>>) src(%arg11 : memref<128x64xf32, #tpu.memory_space<vmem>>) dst(%dma_wait3A_35 : memref<128x64xf32, #tpu.memory_space<hbm>>)
        tpu.yield
      }) : () -> ()
      "tpu.region"() ({
        %run_scoped3A = tpu.sem_alloc : memref<!tpu.dma_semaphore, #tpu.memory_space<semaphore_mem>>
        %dma_start3A_28 = arith.constant 0 : i32
        %dma_start3A_29 = tpu.memref_slice %arg8[%add3A_11, %dma_start3A_28] : memref<167936x16xf32, #tpu.memory_space<hbm>> -> memref<128x16xf32, #tpu.memory_space<hbm>>
        %dma_start3A_30 = arith.constant 0 : i32
        %dma_start3A_31 = tpu.memref_slice %arg8[%add3A_11, %dma_start3A_30] : memref<167936x16xf32, #tpu.memory_space<hbm>> -> memref<128x16xf32, #tpu.memory_space<hbm>>
        tpu.enqueue_dma source(%arg12 : memref<128x16xf32, #tpu.memory_space<vmem>>) target(%dma_start3A_31 : memref<128x16xf32, #tpu.memory_space<hbm>>) target_semaphore(%run_scoped3A : memref<!tpu.dma_semaphore, #tpu.memory_space<semaphore_mem>>)
        %dma_wait3A_32 = arith.constant 0 : i32
        %dma_wait3A_33 = tpu.memref_slice %arg8[%add3A_11, %dma_wait3A_32] : memref<167936x16xf32, #tpu.memory_space<hbm>> -> memref<128x16xf32, #tpu.memory_space<hbm>>
        %dma_wait3A_34 = arith.constant 0 : i32
        %dma_wait3A_35 = tpu.memref_slice %arg8[%add3A_11, %dma_wait3A_34] : memref<167936x16xf32, #tpu.memory_space<hbm>> -> memref<128x16xf32, #tpu.memory_space<hbm>>
        tpu.wait_dma2 semaphore(%run_scoped3A : memref<!tpu.dma_semaphore, #tpu.memory_space<semaphore_mem>>) src(%arg12 : memref<128x16xf32, #tpu.memory_space<vmem>>) dst(%dma_wait3A_35 : memref<128x16xf32, #tpu.memory_space<hbm>>)
        tpu.yield
      }) : () -> ()
    }
    %scan3A_7 = arith.constant 41 : i32
    return
  }
}

module attributes {stable_mosaic.version = 14 : i64} {
  func.func @body(%arg0: memref<8704x64xf32, #tpu.memory_space<vmem>>, %arg1: memref<8704x64xf32, #tpu.memory_space<vmem>>, %arg2: memref<8704x16xf32, #tpu.memory_space<vmem>>, %arg3: memref<72x8704xf32, #tpu.memory_space<vmem>>, %arg4: memref<72x1xf32, #tpu.memory_space<vmem>>, %arg5: memref<64x64xf32, #tpu.memory_space<vmem>>, %arg6: memref<64x64xf32, #tpu.memory_space<vmem>>, %arg7: memref<72x64xf32, #tpu.memory_space<vmem>>, %arg8: memref<72x64xf32, #tpu.memory_space<vmem>>) attributes {dimension_semantics = [], scalar_prefetch = 0 : i64, scratch_operands = 0 : i64, tpu.core_type = #tpu.core_type<tc>} {
    %get3A = arith.constant 0 : index
    %get3A_0 = arith.constant 0 : index
    %get3A_1 = vector.load %arg2[%get3A, %get3A_0] : memref<8704x16xf32, #tpu.memory_space<vmem>>, vector<8704x1xf32>
    %eq3A = arith.constant 0.000000e+00 : f32
    %eq3A_2 = vector.broadcast %eq3A : f32 to vector<8704x1xf32>
    %eq3A_3 = arith.cmpf oeq, %get3A_1, %eq3A_2 : vector<8704x1xf32>
    %convert_element_type3A = arith.extui %eq3A_3 : vector<8704x1xi1> to vector<8704x1xi32>
    %convert_element_type3A_4 = arith.sitofp %convert_element_type3A : vector<8704x1xi32> to vector<8704x1xf32>
    %get3A_5 = arith.constant 0 : index
    %get3A_6 = arith.constant 0 : index
    %get3A_7 = vector.load %arg0[%get3A_5, %get3A_6] : memref<8704x64xf32, #tpu.memory_space<vmem>>, vector<8704x64xf32>
    %mul3A = vector.broadcast %convert_element_type3A_4 : vector<8704x1xf32> to vector<8704x64xf32>
    %mul3A_8 = arith.mulf %get3A_7, %mul3A : vector<8704x64xf32>
    %get3A_9 = arith.constant 0 : index
    %get3A_10 = arith.constant 0 : index
    %get3A_11 = vector.load %arg1[%get3A_9, %get3A_10] : memref<8704x64xf32, #tpu.memory_space<vmem>>, vector<8704x64xf32>
    %mul3A_12 = vector.broadcast %convert_element_type3A_4 : vector<8704x1xf32> to vector<8704x64xf32>
    %mul3A_13 = arith.mulf %get3A_11, %mul3A_12 : vector<8704x64xf32>
    %get3A_14 = arith.constant 0 : index
    %get3A_15 = arith.constant 0 : index
    %get3A_16 = vector.load %arg5[%get3A_14, %get3A_15] : memref<64x64xf32, #tpu.memory_space<vmem>>, vector<64x64xf32>
    %dot_general3A = arith.constant dense<0.000000e+00> : vector<8704x64xf32>
    %dot_general3A_17 = tpu.matmul %mul3A_8, %get3A_16, %dot_general3A {dimension_numbers = #tpu.dot_dimension_numbers<[1], [0], [0], [1], [0, 0, 1, 1], [], []>, transpose_lhs_hint = false} : vector<8704x64xf32>, vector<64x64xf32>, vector<8704x64xf32> -> vector<8704x64xf32>
    %get3A_18 = arith.constant 0 : index
    %get3A_19 = arith.constant 0 : index
    %get3A_20 = vector.load %arg6[%get3A_18, %get3A_19] : memref<64x64xf32, #tpu.memory_space<vmem>>, vector<64x64xf32>
    %dot_general3A_21 = arith.constant dense<0.000000e+00> : vector<8704x64xf32>
    %dot_general3A_22 = tpu.matmul %mul3A_13, %get3A_20, %dot_general3A_21 {dimension_numbers = #tpu.dot_dimension_numbers<[1], [0], [0], [1], [0, 0, 1, 1], [], []>, transpose_lhs_hint = false} : vector<8704x64xf32>, vector<64x64xf32>, vector<8704x64xf32> -> vector<8704x64xf32>
    %sub3A = arith.subf %dot_general3A_17, %dot_general3A_22 : vector<8704x64xf32>
    %get3A_23 = arith.constant 0 : index
    %get3A_24 = arith.constant 0 : index
    %get3A_25 = vector.load %arg6[%get3A_23, %get3A_24] : memref<64x64xf32, #tpu.memory_space<vmem>>, vector<64x64xf32>
    %dot_general3A_26 = arith.constant dense<0.000000e+00> : vector<8704x64xf32>
    %dot_general3A_27 = tpu.matmul %mul3A_8, %get3A_25, %dot_general3A_26 {dimension_numbers = #tpu.dot_dimension_numbers<[1], [0], [0], [1], [0, 0, 1, 1], [], []>, transpose_lhs_hint = false} : vector<8704x64xf32>, vector<64x64xf32>, vector<8704x64xf32> -> vector<8704x64xf32>
    %get3A_28 = arith.constant 0 : index
    %get3A_29 = arith.constant 0 : index
    %get3A_30 = vector.load %arg5[%get3A_28, %get3A_29] : memref<64x64xf32, #tpu.memory_space<vmem>>, vector<64x64xf32>
    %dot_general3A_31 = arith.constant dense<0.000000e+00> : vector<8704x64xf32>
    %dot_general3A_32 = tpu.matmul %mul3A_13, %get3A_30, %dot_general3A_31 {dimension_numbers = #tpu.dot_dimension_numbers<[1], [0], [0], [1], [0, 0, 1, 1], [], []>, transpose_lhs_hint = false} : vector<8704x64xf32>, vector<64x64xf32>, vector<8704x64xf32> -> vector<8704x64xf32>
    %add3A = arith.addf %dot_general3A_27, %dot_general3A_32 : vector<8704x64xf32>
    %get3A_33 = arith.constant 0 : index
    %get3A_34 = arith.constant 0 : index
    %get3A_35 = vector.load %arg3[%get3A_33, %get3A_34] : memref<72x8704xf32, #tpu.memory_space<vmem>>, vector<72x8704xf32>
    %dot_general3A_36 = arith.constant dense<0.000000e+00> : vector<72x64xf32>
    %dot_general3A_37 = tpu.matmul %get3A_35, %sub3A, %dot_general3A_36 {dimension_numbers = #tpu.dot_dimension_numbers<[1], [0], [0], [1], [0, 0, 1, 1], [], []>, precision = #tpu.contract_precision<fp32>, transpose_lhs_hint = false} : vector<72x8704xf32>, vector<8704x64xf32>, vector<72x64xf32> -> vector<72x64xf32>
    %get3A_38 = arith.constant 0 : index
    %get3A_39 = arith.constant 0 : index
    %get3A_40 = vector.load %arg4[%get3A_38, %get3A_39] : memref<72x1xf32, #tpu.memory_space<vmem>>, vector<72x1xf32>
    %div3A = vector.broadcast %get3A_40 : vector<72x1xf32> to vector<72x64xf32>
    %div3A_41 = arith.divf %dot_general3A_37, %div3A : vector<72x64xf32>
    %swap3A = arith.constant 0 : index
    %swap3A_42 = arith.constant 0 : index
    %swap3A_43 = vector.load %arg7[%swap3A, %swap3A_42] : memref<72x64xf32, #tpu.memory_space<vmem>>, vector<72x64xf32>
    tpu.vector_store %arg7[%swap3A, %swap3A_42], %div3A_41 {strides = array<i32>} : memref<72x64xf32, #tpu.memory_space<vmem>>, vector<72x64xf32>,
    %get3A_44 = arith.constant 0 : index
    %get3A_45 = arith.constant 0 : index
    %get3A_46 = vector.load %arg3[%get3A_44, %get3A_45] : memref<72x8704xf32, #tpu.memory_space<vmem>>, vector<72x8704xf32>
    %dot_general3A_47 = arith.constant dense<0.000000e+00> : vector<72x64xf32>
    %dot_general3A_48 = tpu.matmul %get3A_46, %add3A, %dot_general3A_47 {dimension_numbers = #tpu.dot_dimension_numbers<[1], [0], [0], [1], [0, 0, 1, 1], [], []>, precision = #tpu.contract_precision<fp32>, transpose_lhs_hint = false} : vector<72x8704xf32>, vector<8704x64xf32>, vector<72x64xf32> -> vector<72x64xf32>
    %get3A_49 = arith.constant 0 : index
    %get3A_50 = arith.constant 0 : index
    %get3A_51 = vector.load %arg4[%get3A_49, %get3A_50] : memref<72x1xf32, #tpu.memory_space<vmem>>, vector<72x1xf32>
    %div3A_52 = vector.broadcast %get3A_51 : vector<72x1xf32> to vector<72x64xf32>
    %div3A_53 = arith.divf %dot_general3A_48, %div3A_52 : vector<72x64xf32>
    %swap3A_54 = arith.constant 0 : index
    %swap3A_55 = arith.constant 0 : index
    %swap3A_56 = vector.load %arg8[%swap3A_54, %swap3A_55] : memref<72x64xf32, #tpu.memory_space<vmem>>, vector<72x64xf32>
    tpu.vector_store %arg8[%swap3A_54, %swap3A_55], %div3A_53 {strides = array<i32>} : memref<72x64xf32, #tpu.memory_space<vmem>>, vector<72x64xf32>,
    return
  }
}

module attributes {stable_mosaic.version = 14 : i64} {
  func.func @body(%arg0: memref<72x128x128xf32, #tpu.memory_space<vmem>>, %arg1: memref<72x64x64xf32, #tpu.memory_space<vmem>>, %arg2: memref<72x64x64xf32, #tpu.memory_space<vmem>>) attributes {dimension_semantics = [], scalar_prefetch = 0 : i64, scratch_operands = 0 : i64, tpu.core_type = #tpu.core_type<tc>} {
    %get3A = arith.constant 0 : index
    %get3A_0 = arith.constant 0 : index
    %get3A_1 = arith.constant 0 : index
    %get3A_2 = vector.load %arg0[%get3A, %get3A_0, %get3A_1] : memref<72x128x128xf32, #tpu.memory_space<vmem>>, vector<72x128x128xf32>
    %slice3A = vector.extract_strided_slice %get3A_2 {offsets = [0, 0, 0], sizes = [72, 64, 64], strides = [1, 1, 1]} : vector<72x128x128xf32> to vector<72x64x64xf32>
    %slice3A_3 = vector.extract_strided_slice %get3A_2 {offsets = [0, 64, 64], sizes = [72, 64, 64], strides = [1, 1, 1]} : vector<72x128x128xf32> to vector<72x64x64xf32>
    %sub3A = arith.subf %slice3A, %slice3A_3 : vector<72x64x64xf32>
    %logistic3A = arith.negf %sub3A : vector<72x64x64xf32>
    %logistic3A_4 = math.exp %logistic3A : vector<72x64x64xf32>
    %logistic3A_5 = arith.constant 1.000000e+00 : f32
    %logistic3A_6 = vector.broadcast %logistic3A_5 : f32 to vector<72x64x64xf32>
    %logistic3A_7 = arith.addf %logistic3A_6, %logistic3A_4 : vector<72x64x64xf32>
    %logistic3A_8 = arith.divf %logistic3A_6, %logistic3A_7 : vector<72x64x64xf32>
    %swap3A = arith.constant 0 : index
    %swap3A_9 = arith.constant 0 : index
    %swap3A_10 = arith.constant 0 : index
    %swap3A_11 = vector.load %arg1[%swap3A, %swap3A_9, %swap3A_10] : memref<72x64x64xf32, #tpu.memory_space<vmem>>, vector<72x64x64xf32>
    tpu.vector_store %arg1[%swap3A, %swap3A_9, %swap3A_10], %logistic3A_8 {strides = array<i32>} : memref<72x64x64xf32, #tpu.memory_space<vmem>>, vector<72x64x64xf32>,
    %slice3A_12 = vector.extract_strided_slice %get3A_2 {offsets = [0, 0, 64], sizes = [72, 64, 64], strides = [1, 1, 1]} : vector<72x128x128xf32> to vector<72x64x64xf32>
    %slice3A_13 = vector.extract_strided_slice %get3A_2 {offsets = [0, 64, 0], sizes = [72, 64, 64], strides = [1, 1, 1]} : vector<72x128x128xf32> to vector<72x64x64xf32>
    %add3A = arith.addf %slice3A_12, %slice3A_13 : vector<72x64x64xf32>
    %logistic3A_14 = arith.negf %add3A : vector<72x64x64xf32>
    %logistic3A_15 = math.exp %logistic3A_14 : vector<72x64x64xf32>
    %logistic3A_16 = arith.constant 1.000000e+00 : f32
    %logistic3A_17 = vector.broadcast %logistic3A_16 : f32 to vector<72x64x64xf32>
    %logistic3A_18 = arith.addf %logistic3A_17, %logistic3A_15 : vector<72x64x64xf32>
    %logistic3A_19 = arith.divf %logistic3A_17, %logistic3A_18 : vector<72x64x64xf32>
    %swap3A_20 = arith.constant 0 : index
    %swap3A_21 = arith.constant 0 : index
    %swap3A_22 = arith.constant 0 : index
    %swap3A_23 = vector.load %arg2[%swap3A_20, %swap3A_21, %swap3A_22] : memref<72x64x64xf32, #tpu.memory_space<vmem>>, vector<72x64x64xf32>
    tpu.vector_store %arg2[%swap3A_20, %swap3A_21, %swap3A_22], %logistic3A_19 {strides = array<i32>} : memref<72x64x64xf32, #tpu.memory_space<vmem>>, vector<72x64x64xf32>,
    return
  }
}

module attributes {stable_mosaic.version = 14 : i64} {
  func.func @body(%arg0: i32, %arg1: memref<609xi32, #tpu.memory_space<smem>>, %arg2: memref<609xi32, #tpu.memory_space<smem>>, %arg3: memref<256x64xf32, #tpu.memory_space<vmem>>, %arg4: memref<256x64xf32, #tpu.memory_space<vmem>>, %arg5: memref<256x16xf32, #tpu.memory_space<vmem>>, %arg6: memref<256x4xf32, #tpu.memory_space<vmem>>, %arg7: memref<72x64xf32, #tpu.memory_space<vmem>>, %arg8: memref<72x64xf32, #tpu.memory_space<vmem>>, %arg9: memref<64x64xf32, #tpu.memory_space<vmem>>, %arg10: memref<64x64xf32, #tpu.memory_space<vmem>>, %arg11: memref<64x64xf32, #tpu.memory_space<vmem>>, %arg12: memref<64x64xf32, #tpu.memory_space<vmem>>, %arg13: memref<66x64xf32, #tpu.memory_space<vmem>>, %arg14: memref<66x64xf32, #tpu.memory_space<vmem>>, %arg15: memref<66x64xf32, #tpu.memory_space<vmem>>, %arg16: memref<66x64xf32, #tpu.memory_space<vmem>>, %arg17: memref<1x128x128xf32, #tpu.memory_space<vmem>>) attributes {dimension_semantics = [#tpu.dimension_semantics<arbitrary>], iteration_bounds = array<i64: 609>, scalar_prefetch = 2 : i64, scratch_operands = 0 : i64, tpu.core_type = #tpu.core_type<tc>, window_params = [{transform_indices = @transform_0, window_bounds = array<i64: 256, 64>}, {transform_indices = @transform_1, window_bounds = array<i64: 256, 64>}, {transform_indices = @transform_2, window_bounds = array<i64: 256, 16>}, {transform_indices = @transform_3, window_bounds = array<i64: 256, 4>}, {pipeline_mode = #tpu.pipeline_mode<synchronous>, transform_indices = @transform_4, window_bounds = array<i64: 72, 64>}, {pipeline_mode = #tpu.pipeline_mode<synchronous>, transform_indices = @transform_5, window_bounds = array<i64: 72, 64>}, {pipeline_mode = #tpu.pipeline_mode<synchronous>, transform_indices = @transform_6, window_bounds = array<i64: 64, 64>}, {pipeline_mode = #tpu.pipeline_mode<synchronous>, transform_indices = @transform_7, window_bounds = array<i64: 64, 64>}, {pipeline_mode = #tpu.pipeline_mode<synchronous>, transform_indices = @transform_8, window_bounds = array<i64: 64, 64>}, {pipeline_mode = #tpu.pipeline_mode<synchronous>, transform_indices = @transform_9, window_bounds = array<i64: 64, 64>}, {pipeline_mode = #tpu.pipeline_mode<synchronous>, transform_indices = @transform_10, window_bounds = array<i64: 66, 64>}, {pipeline_mode = #tpu.pipeline_mode<synchronous>, transform_indices = @transform_11, window_bounds = array<i64: 66, 64>}, {pipeline_mode = #tpu.pipeline_mode<synchronous>, transform_indices = @transform_12, window_bounds = array<i64: 66, 64>}, {pipeline_mode = #tpu.pipeline_mode<synchronous>, transform_indices = @transform_13, window_bounds = array<i64: 66, 64>}, {transform_indices = @transform_14, window_bounds = array<i64: 1, 128, 128>}]} {
    %get3A = arith.index_cast %arg0 : i32 to index
    %get3A_0 = memref.load %arg1[%get3A] : memref<609xi32, #tpu.memory_space<smem>>
    %get3A_1 = arith.constant 0 : index
    %get3A_2 = arith.constant 0 : index
    %get3A_3 = vector.load %arg3[%get3A_1, %get3A_2] : memref<256x64xf32, #tpu.memory_space<vmem>>, vector<256x64xf32>
    %get3A_4 = arith.constant 0 : index
    %get3A_5 = arith.constant 0 : index
    %get3A_6 = vector.load %arg4[%get3A_4, %get3A_5] : memref<256x64xf32, #tpu.memory_space<vmem>>, vector<256x64xf32>
    %get3A_7 = arith.constant 0 : index
    %get3A_8 = arith.constant 0 : index
    %get3A_9 = vector.load %arg5[%get3A_7, %get3A_8] : memref<256x16xf32, #tpu.memory_space<vmem>>, vector<256x16xf32>
    %get3A_10 = arith.constant 0 : index
    %get3A_11 = arith.constant 0 : index
    %get3A_12 = vector.load %arg6[%get3A_10, %get3A_11] : memref<256x4xf32, #tpu.memory_space<vmem>>, vector<256x4xf32>
    %get3A_13 = arith.constant 0 : index
    %get3A_14 = arith.constant 0 : index
    %get3A_15 = vector.load %arg9[%get3A_13, %get3A_14] : memref<64x64xf32, #tpu.memory_space<vmem>>, vector<64x64xf32>
    %get3A_16 = arith.constant 0 : index
    %get3A_17 = arith.constant 0 : index
    %get3A_18 = vector.load %arg10[%get3A_16, %get3A_17] : memref<64x64xf32, #tpu.memory_space<vmem>>, vector<64x64xf32>
    %get3A_19 = arith.constant 0 : index
    %get3A_20 = arith.constant 0 : index
    %get3A_21 = vector.load %arg11[%get3A_19, %get3A_20] : memref<64x64xf32, #tpu.memory_space<vmem>>, vector<64x64xf32>
    %get3A_22 = arith.constant 0 : index
    %get3A_23 = arith.constant 0 : index
    %get3A_24 = vector.load %arg12[%get3A_22, %get3A_23] : memref<64x64xf32, #tpu.memory_space<vmem>>, vector<64x64xf32>
    %slice3A = vector.extract_strided_slice %get3A_12 {offsets = [0, 2], sizes = [256, 1], strides = [1, 1]} : vector<256x4xf32> to vector<256x1xf32>
    %slice3A_25 = vector.extract_strided_slice %get3A_9 {offsets = [0, 0], sizes = [256, 1], strides = [1, 1]} : vector<256x16xf32> to vector<256x1xf32>
    %eq3A = arith.constant 0.000000e+00 : f32
    %eq3A_26 = vector.broadcast %eq3A : f32 to vector<256x1xf32>
    %eq3A_27 = arith.cmpf oeq, %slice3A_25, %eq3A_26 : vector<256x1xf32>
    %convert_element_type3A = arith.extui %eq3A_27 : vector<256x1xi1> to vector<256x1xi32>
    %convert_element_type3A_28 = arith.sitofp %convert_element_type3A : vector<256x1xi32> to vector<256x1xf32>
    %mul3A = arith.mulf %convert_element_type3A_28, %slice3A : vector<256x1xf32>
    %eq3A_29 = arith.constant 1.000000e+00 : f32
    %eq3A_30 = vector.broadcast %eq3A_29 : f32 to vector<256x1xf32>
    %eq3A_31 = arith.cmpf oeq, %slice3A_25, %eq3A_30 : vector<256x1xf32>
    %convert_element_type3A_32 = arith.extui %eq3A_31 : vector<256x1xi1> to vector<256x1xi32>
    %convert_element_type3A_33 = arith.sitofp %convert_element_type3A_32 : vector<256x1xi32> to vector<256x1xf32>
    %mul3A_34 = arith.mulf %convert_element_type3A_33, %slice3A : vector<256x1xf32>
    %mul3A_35 = vector.broadcast %mul3A : vector<256x1xf32> to vector<256x64xf32>
    %mul3A_36 = arith.mulf %get3A_3, %mul3A_35 : vector<256x64xf32>
    %mul3A_37 = vector.broadcast %mul3A : vector<256x1xf32> to vector<256x64xf32>
    %mul3A_38 = arith.mulf %get3A_6, %mul3A_37 : vector<256x64xf32>
    %mul3A_39 = vector.broadcast %mul3A_34 : vector<256x1xf32> to vector<256x64xf32>
    %mul3A_40 = arith.mulf %get3A_3, %mul3A_39 : vector<256x64xf32>
    %mul3A_41 = vector.broadcast %mul3A_34 : vector<256x1xf32> to vector<256x64xf32>
    %mul3A_42 = arith.mulf %get3A_6, %mul3A_41 : vector<256x64xf32>
    %get3A_43 = arith.index_cast %get3A_0 : i32 to index
    %get3A_44 = arith.constant 0 : index
    %get3A_45 = vector.load %arg7[%get3A_43, %get3A_44] : memref<72x64xf32, #tpu.memory_space<vmem>>, vector<1x64xf32>
    %get3A_46 = arith.index_cast %get3A_0 : i32 to index
    %get3A_47 = arith.constant 0 : index
    %get3A_48 = vector.load %arg8[%get3A_46, %get3A_47] : memref<72x64xf32, #tpu.memory_space<vmem>>, vector<1x64xf32>
    %dot_general3A = arith.constant dense<0.000000e+00> : vector<256x64xf32>
    %dot_general3A_49 = tpu.matmul %mul3A_36, %get3A_15, %dot_general3A {dimension_numbers = #tpu.dot_dimension_numbers<[1], [0], [0], [1], [0, 0, 1, 1], [], []>, transpose_lhs_hint = false} : vector<256x64xf32>, vector<64x64xf32>, vector<256x64xf32> -> vector<256x64xf32>
    %dot_general3A_50 = arith.constant dense<0.000000e+00> : vector<256x64xf32>
    %dot_general3A_51 = tpu.matmul %mul3A_38, %get3A_18, %dot_general3A_50 {dimension_numbers = #tpu.dot_dimension_numbers<[1], [0], [0], [1], [0, 0, 1, 1], [], []>, transpose_lhs_hint = false} : vector<256x64xf32>, vector<64x64xf32>, vector<256x64xf32> -> vector<256x64xf32>
    %sub3A = arith.subf %dot_general3A_49, %dot_general3A_51 : vector<256x64xf32>
    %dot_general3A_52 = arith.constant dense<0.000000e+00> : vector<256x64xf32>
    %dot_general3A_53 = tpu.matmul %mul3A_36, %get3A_18, %dot_general3A_52 {dimension_numbers = #tpu.dot_dimension_numbers<[1], [0], [0], [1], [0, 0, 1, 1], [], []>, transpose_lhs_hint = false} : vector<256x64xf32>, vector<64x64xf32>, vector<256x64xf32> -> vector<256x64xf32>
    %dot_general3A_54 = arith.constant dense<0.000000e+00> : vector<256x64xf32>
    %dot_general3A_55 = tpu.matmul %mul3A_38, %get3A_15, %dot_general3A_54 {dimension_numbers = #tpu.dot_dimension_numbers<[1], [0], [0], [1], [0, 0, 1, 1], [], []>, transpose_lhs_hint = false} : vector<256x64xf32>, vector<64x64xf32>, vector<256x64xf32> -> vector<256x64xf32>
    %add3A = arith.addf %dot_general3A_53, %dot_general3A_55 : vector<256x64xf32>
    %dot_general3A_56 = arith.constant dense<0.000000e+00> : vector<256x64xf32>
    %dot_general3A_57 = tpu.matmul %mul3A_40, %get3A_21, %dot_general3A_56 {dimension_numbers = #tpu.dot_dimension_numbers<[1], [0], [0], [1], [0, 0, 1, 1], [], []>, transpose_lhs_hint = false} : vector<256x64xf32>, vector<64x64xf32>, vector<256x64xf32> -> vector<256x64xf32>
    %dot_general3A_58 = arith.constant dense<0.000000e+00> : vector<256x64xf32>
    %dot_general3A_59 = tpu.matmul %mul3A_42, %get3A_24, %dot_general3A_58 {dimension_numbers = #tpu.dot_dimension_numbers<[1], [0], [0], [1], [0, 0, 1, 1], [], []>, transpose_lhs_hint = false} : vector<256x64xf32>, vector<64x64xf32>, vector<256x64xf32> -> vector<256x64xf32>
    %sub3A_60 = arith.subf %dot_general3A_57, %dot_general3A_59 : vector<256x64xf32>
    %dot_general3A_61 = arith.constant dense<0.000000e+00> : vector<256x64xf32>
    %dot_general3A_62 = tpu.matmul %mul3A_40, %get3A_24, %dot_general3A_61 {dimension_numbers = #tpu.dot_dimension_numbers<[1], [0], [0], [1], [0, 0, 1, 1], [], []>, transpose_lhs_hint = false} : vector<256x64xf32>, vector<64x64xf32>, vector<256x64xf32> -> vector<256x64xf32>
    %dot_general3A_63 = arith.constant dense<0.000000e+00> : vector<256x64xf32>
    %dot_general3A_64 = tpu.matmul %mul3A_42, %get3A_21, %dot_general3A_63 {dimension_numbers = #tpu.dot_dimension_numbers<[1], [0], [0], [1], [0, 0, 1, 1], [], []>, transpose_lhs_hint = false} : vector<256x64xf32>, vector<64x64xf32>, vector<256x64xf32> -> vector<256x64xf32>
    %add3A_65 = arith.addf %dot_general3A_62, %dot_general3A_64 : vector<256x64xf32>
    %add3A_66 = vector.broadcast %get3A_45 : vector<1x64xf32> to vector<256x64xf32>
    %add3A_67 = arith.addf %sub3A, %add3A_66 : vector<256x64xf32>
    %mul3A_68 = arith.constant 5.000000e-01 : f32
    %mul3A_69 = vector.broadcast %mul3A_68 : f32 to vector<256x64xf32>
    %mul3A_70 = arith.mulf %mul3A_69, %add3A_67 : vector<256x64xf32>
    %mul3A_71 = vector.broadcast %mul3A : vector<256x1xf32> to vector<256x64xf32>
    %mul3A_72 = arith.mulf %mul3A_70, %mul3A_71 : vector<256x64xf32>
    %add3A_73 = vector.broadcast %get3A_48 : vector<1x64xf32> to vector<256x64xf32>
    %add3A_74 = arith.addf %add3A, %add3A_73 : vector<256x64xf32>
    %mul3A_75 = arith.constant 5.000000e-01 : f32
    %mul3A_76 = vector.broadcast %mul3A_75 : f32 to vector<256x64xf32>
    %mul3A_77 = arith.mulf %mul3A_76, %add3A_74 : vector<256x64xf32>
    %mul3A_78 = vector.broadcast %mul3A : vector<256x1xf32> to vector<256x64xf32>
    %mul3A_79 = arith.mulf %mul3A_77, %mul3A_78 : vector<256x64xf32>
    %sub3A_80 = vector.broadcast %get3A_45 : vector<1x64xf32> to vector<256x64xf32>
    %sub3A_81 = arith.subf %sub3A_60, %sub3A_80 : vector<256x64xf32>
    %mul3A_82 = vector.broadcast %mul3A_34 : vector<256x1xf32> to vector<256x64xf32>
    %mul3A_83 = arith.mulf %sub3A_81, %mul3A_82 : vector<256x64xf32>
    %add3A_84 = arith.addf %mul3A_72, %mul3A_83 : vector<256x64xf32>
    %sub3A_85 = vector.broadcast %get3A_48 : vector<1x64xf32> to vector<256x64xf32>
    %sub3A_86 = arith.subf %add3A_65, %sub3A_85 : vector<256x64xf32>
    %mul3A_87 = vector.broadcast %mul3A_34 : vector<256x1xf32> to vector<256x64xf32>
    %mul3A_88 = arith.mulf %sub3A_86, %mul3A_87 : vector<256x64xf32>
    %add3A_89 = arith.addf %mul3A_79, %mul3A_88 : vector<256x64xf32>
    %get3A_90 = arith.constant 0 : index
    %get3A_91 = arith.constant 0 : index
    %get3A_92 = vector.load %arg6[%get3A_90, %get3A_91] : memref<256x4xf32, #tpu.memory_space<vmem>>, vector<256x2xf32>
    %concatenate3A = tpu.concatenate %add3A_84, %get3A_92 in 1 : vector<256x64xf32>, vector<256x2xf32> -> vector<256x66xf32>
    %broadcast_in_dim3A = arith.constant 0.000000e+00 : f32
    %broadcast_in_dim3A_93 = vector.broadcast %broadcast_in_dim3A : f32 to vector<256x2xf32>
    %concatenate3A_94 = tpu.concatenate %add3A_89, %broadcast_in_dim3A_93 in 1 : vector<256x64xf32>, vector<256x2xf32> -> vector<256x66xf32>
    %get3A_95 = arith.constant 0 : index
    %get3A_96 = arith.constant 0 : index
    %get3A_97 = vector.load %arg13[%get3A_95, %get3A_96] : memref<66x64xf32, #tpu.memory_space<vmem>>, vector<66x64xf32>
    %dot_general3A_98 = arith.constant dense<0.000000e+00> : vector<256x64xf32>
    %dot_general3A_99 = tpu.matmul %concatenate3A, %get3A_97, %dot_general3A_98 {dimension_numbers = #tpu.dot_dimension_numbers<[1], [0], [0], [1], [0, 0, 1, 1], [], []>, transpose_lhs_hint = false} : vector<256x66xf32>, vector<66x64xf32>, vector<256x64xf32> -> vector<256x64xf32>
    %get3A_100 = arith.constant 0 : index
    %get3A_101 = arith.constant 0 : index
    %get3A_102 = vector.load %arg14[%get3A_100, %get3A_101] : memref<66x64xf32, #tpu.memory_space<vmem>>, vector<66x64xf32>
    %dot_general3A_103 = arith.constant dense<0.000000e+00> : vector<256x64xf32>
    %dot_general3A_104 = tpu.matmul %concatenate3A_94, %get3A_102, %dot_general3A_103 {dimension_numbers = #tpu.dot_dimension_numbers<[1], [0], [0], [1], [0, 0, 1, 1], [], []>, transpose_lhs_hint = false} : vector<256x66xf32>, vector<66x64xf32>, vector<256x64xf32> -> vector<256x64xf32>
    %sub3A_105 = arith.subf %dot_general3A_99, %dot_general3A_104 : vector<256x64xf32>
    %get3A_106 = arith.constant 0 : index
    %get3A_107 = arith.constant 0 : index
    %get3A_108 = vector.load %arg14[%get3A_106, %get3A_107] : memref<66x64xf32, #tpu.memory_space<vmem>>, vector<66x64xf32>
    %dot_general3A_109 = arith.constant dense<0.000000e+00> : vector<256x64xf32>
    %dot_general3A_110 = tpu.matmul %concatenate3A, %get3A_108, %dot_general3A_109 {dimension_numbers = #tpu.dot_dimension_numbers<[1], [0], [0], [1], [0, 0, 1, 1], [], []>, transpose_lhs_hint = false} : vector<256x66xf32>, vector<66x64xf32>, vector<256x64xf32> -> vector<256x64xf32>
    %get3A_111 = arith.constant 0 : index
    %get3A_112 = arith.constant 0 : index
    %get3A_113 = vector.load %arg13[%get3A_111, %get3A_112] : memref<66x64xf32, #tpu.memory_space<vmem>>, vector<66x64xf32>
    %dot_general3A_114 = arith.constant dense<0.000000e+00> : vector<256x64xf32>
    %dot_general3A_115 = tpu.matmul %concatenate3A_94, %get3A_113, %dot_general3A_114 {dimension_numbers = #tpu.dot_dimension_numbers<[1], [0], [0], [1], [0, 0, 1, 1], [], []>, transpose_lhs_hint = false} : vector<256x66xf32>, vector<66x64xf32>, vector<256x64xf32> -> vector<256x64xf32>
    %add3A_116 = arith.addf %dot_general3A_110, %dot_general3A_115 : vector<256x64xf32>
    %get3A_117 = arith.constant 0 : index
    %get3A_118 = arith.constant 0 : index
    %get3A_119 = vector.load %arg15[%get3A_117, %get3A_118] : memref<66x64xf32, #tpu.memory_space<vmem>>, vector<66x64xf32>
    %dot_general3A_120 = arith.constant dense<0.000000e+00> : vector<256x64xf32>
    %dot_general3A_121 = tpu.matmul %concatenate3A, %get3A_119, %dot_general3A_120 {dimension_numbers = #tpu.dot_dimension_numbers<[1], [0], [0], [1], [0, 0, 1, 1], [], []>, transpose_lhs_hint = false} : vector<256x66xf32>, vector<66x64xf32>, vector<256x64xf32> -> vector<256x64xf32>
    %get3A_122 = arith.constant 0 : index
    %get3A_123 = arith.constant 0 : index
    %get3A_124 = vector.load %arg16[%get3A_122, %get3A_123] : memref<66x64xf32, #tpu.memory_space<vmem>>, vector<66x64xf32>
    %dot_general3A_125 = arith.constant dense<0.000000e+00> : vector<256x64xf32>
    %dot_general3A_126 = tpu.matmul %concatenate3A_94, %get3A_124, %dot_general3A_125 {dimension_numbers = #tpu.dot_dimension_numbers<[1], [0], [0], [1], [0, 0, 1, 1], [], []>, transpose_lhs_hint = false} : vector<256x66xf32>, vector<66x64xf32>, vector<256x64xf32> -> vector<256x64xf32>
    %sub3A_127 = arith.subf %dot_general3A_121, %dot_general3A_126 : vector<256x64xf32>
    %get3A_128 = arith.constant 0 : index
    %get3A_129 = arith.constant 0 : index
    %get3A_130 = vector.load %arg16[%get3A_128, %get3A_129] : memref<66x64xf32, #tpu.memory_space<vmem>>, vector<66x64xf32>
    %dot_general3A_131 = arith.constant dense<0.000000e+00> : vector<256x64xf32>
    %dot_general3A_132 = tpu.matmul %concatenate3A, %get3A_130, %dot_general3A_131 {dimension_numbers = #tpu.dot_dimension_numbers<[1], [0], [0], [1], [0, 0, 1, 1], [], []>, transpose_lhs_hint = false} : vector<256x66xf32>, vector<66x64xf32>, vector<256x64xf32> -> vector<256x64xf32>
    %get3A_133 = arith.constant 0 : index
    %get3A_134 = arith.constant 0 : index
    %get3A_135 = vector.load %arg15[%get3A_133, %get3A_134] : memref<66x64xf32, #tpu.memory_space<vmem>>, vector<66x64xf32>
    %dot_general3A_136 = arith.constant dense<0.000000e+00> : vector<256x64xf32>
    %dot_general3A_137 = tpu.matmul %concatenate3A_94, %get3A_135, %dot_general3A_136 {dimension_numbers = #tpu.dot_dimension_numbers<[1], [0], [0], [1], [0, 0, 1, 1], [], []>, transpose_lhs_hint = false} : vector<256x66xf32>, vector<66x64xf32>, vector<256x64xf32> -> vector<256x64xf32>
    %add3A_138 = arith.addf %dot_general3A_132, %dot_general3A_137 : vector<256x64xf32>
    %concatenate3A_139 = tpu.concatenate %sub3A_105, %add3A_116 in 1 : vector<256x64xf32>, vector<256x64xf32> -> vector<256x128xf32>
    %concatenate3A_140 = tpu.concatenate %sub3A_127, %add3A_138 in 1 : vector<256x64xf32>, vector<256x64xf32> -> vector<256x128xf32>
    %dot_general3A_141 = arith.constant dense<0.000000e+00> : vector<128x128xf32>
    %dot_general3A_142 = tpu.matmul %concatenate3A_139, %concatenate3A_140, %dot_general3A_141 {dimension_numbers = #tpu.dot_dimension_numbers<[0], [0], [1], [1], [0, 1, 1, 1], [], []>, transpose_lhs_hint = false} : vector<256x128xf32>, vector<256x128xf32>, vector<128x128xf32> -> vector<128x128xf32>
    %get3A_143 = arith.index_cast %arg0 : i32 to index
    %get3A_144 = memref.load %arg2[%get3A_143] : memref<609xi32, #tpu.memory_space<smem>>
    %eq3A_145 = arith.constant 1 : i32
    %eq3A_146 = arith.cmpi eq, %get3A_144, %eq3A_145 : i32
    %convert_element_type3A_147 = arith.extui %eq3A_146 : i1 to i32
    %cond3A = arith.constant 0 : i32
    %cond3A_148 = arith.cmpi ne, %convert_element_type3A_147, %cond3A : i32
    scf.if %cond3A_148 {
      %broadcast_in_dim3A_156 = vector.shape_cast %dot_general3A_142 : vector<128x128xf32> to vector<1x128x128xf32>
      %swap3A = arith.constant 0 : index
      %swap3A_157 = arith.constant 0 : index
      %swap3A_158 = arith.constant 0 : index
      %swap3A_159 = vector.load %arg17[%swap3A, %swap3A_157, %swap3A_158] : memref<1x128x128xf32, #tpu.memory_space<vmem>>, vector<1x128x128xf32>
      tpu.vector_store %arg17[%swap3A, %swap3A_157, %swap3A_158], %broadcast_in_dim3A_156 {strides = array<i32>} : memref<1x128x128xf32, #tpu.memory_space<vmem>>, vector<1x128x128xf32>,
    } else {
    }
    %get3A_149 = arith.index_cast %arg0 : i32 to index
    %get3A_150 = memref.load %arg2[%get3A_149] : memref<609xi32, #tpu.memory_space<smem>>
    %eq3A_151 = arith.constant 0 : i32
    %eq3A_152 = arith.cmpi eq, %get3A_150, %eq3A_151 : i32
    %convert_element_type3A_153 = arith.extui %eq3A_152 : i1 to i32
    %cond3A_154 = arith.constant 0 : i32
    %cond3A_155 = arith.cmpi ne, %convert_element_type3A_153, %cond3A_154 : i32
    scf.if %cond3A_155 {
      %get3A_156 = arith.constant 0 : index
      %get3A_157 = arith.constant 0 : index
      %get3A_158 = arith.constant 0 : index
      %get3A_159 = vector.load %arg17[%get3A_156, %get3A_157, %get3A_158] : memref<1x128x128xf32, #tpu.memory_space<vmem>>, vector<1x128x128xf32>
      %broadcast_in_dim3A_160 = vector.shape_cast %dot_general3A_142 : vector<128x128xf32> to vector<1x128x128xf32>
      %add3A_161 = arith.addf %get3A_159, %broadcast_in_dim3A_160 : vector<1x128x128xf32>
      %swap3A = arith.constant 0 : index
      %swap3A_162 = arith.constant 0 : index
      %swap3A_163 = arith.constant 0 : index
      %swap3A_164 = vector.load %arg17[%swap3A, %swap3A_162, %swap3A_163] : memref<1x128x128xf32, #tpu.memory_space<vmem>>, vector<1x128x128xf32>
      tpu.vector_store %arg17[%swap3A, %swap3A_162, %swap3A_163], %add3A_161 {strides = array<i32>} : memref<1x128x128xf32, #tpu.memory_space<vmem>>, vector<1x128x128xf32>,
    } else {
    }
    return
  }
  func.func @transform_0(%arg0: i32, %arg1: memref<609xi32, #tpu.memory_space<smem>>, %arg2: memref<609xi32, #tpu.memory_space<smem>>) -> (i32, i32) {
    %c0_i32 = arith.constant 0 : i32
    %c0_i32_0 = arith.constant 0 : i32
    return %arg0, %c0_i32 : i32, i32
  }
  func.func @transform_1(%arg0: i32, %arg1: memref<609xi32, #tpu.memory_space<smem>>, %arg2: memref<609xi32, #tpu.memory_space<smem>>) -> (i32, i32) {
    %c0_i32 = arith.constant 0 : i32
    %c0_i32_0 = arith.constant 0 : i32
    return %arg0, %c0_i32 : i32, i32
  }
  func.func @transform_2(%arg0: i32, %arg1: memref<609xi32, #tpu.memory_space<smem>>, %arg2: memref<609xi32, #tpu.memory_space<smem>>) -> (i32, i32) {
    %c0_i32 = arith.constant 0 : i32
    %c0_i32_0 = arith.constant 0 : i32
    return %arg0, %c0_i32 : i32, i32
  }
  func.func @transform_3(%arg0: i32, %arg1: memref<609xi32, #tpu.memory_space<smem>>, %arg2: memref<609xi32, #tpu.memory_space<smem>>) -> (i32, i32) {
    %c0_i32 = arith.constant 0 : i32
    %c0_i32_0 = arith.constant 0 : i32
    return %arg0, %c0_i32 : i32, i32
  }
  func.func @transform_4(%arg0: i32, %arg1: memref<609xi32, #tpu.memory_space<smem>>, %arg2: memref<609xi32, #tpu.memory_space<smem>>) -> (i32, i32) {
    %c0_i32 = arith.constant 0 : i32
    %c0_i32_0 = arith.constant 0 : i32
    %c0_i32_1 = arith.constant 0 : i32
    return %c0_i32, %c0_i32_0 : i32, i32
  }
  func.func @transform_5(%arg0: i32, %arg1: memref<609xi32, #tpu.memory_space<smem>>, %arg2: memref<609xi32, #tpu.memory_space<smem>>) -> (i32, i32) {
    %c0_i32 = arith.constant 0 : i32
    %c0_i32_0 = arith.constant 0 : i32
    %c0_i32_1 = arith.constant 0 : i32
    return %c0_i32, %c0_i32_0 : i32, i32
  }
  func.func @transform_6(%arg0: i32, %arg1: memref<609xi32, #tpu.memory_space<smem>>, %arg2: memref<609xi32, #tpu.memory_space<smem>>) -> (i32, i32) {
    %c0_i32 = arith.constant 0 : i32
    %c0_i32_0 = arith.constant 0 : i32
    %c0_i32_1 = arith.constant 0 : i32
    return %c0_i32, %c0_i32_0 : i32, i32
  }
  func.func @transform_7(%arg0: i32, %arg1: memref<609xi32, #tpu.memory_space<smem>>, %arg2: memref<609xi32, #tpu.memory_space<smem>>) -> (i32, i32) {
    %c0_i32 = arith.constant 0 : i32
    %c0_i32_0 = arith.constant 0 : i32
    %c0_i32_1 = arith.constant 0 : i32
    return %c0_i32, %c0_i32_0 : i32, i32
  }
  func.func @transform_8(%arg0: i32, %arg1: memref<609xi32, #tpu.memory_space<smem>>, %arg2: memref<609xi32, #tpu.memory_space<smem>>) -> (i32, i32) {
    %c0_i32 = arith.constant 0 : i32
    %c0_i32_0 = arith.constant 0 : i32
    %c0_i32_1 = arith.constant 0 : i32
    return %c0_i32, %c0_i32_0 : i32, i32
  }
  func.func @transform_9(%arg0: i32, %arg1: memref<609xi32, #tpu.memory_space<smem>>, %arg2: memref<609xi32, #tpu.memory_space<smem>>) -> (i32, i32) {
    %c0_i32 = arith.constant 0 : i32
    %c0_i32_0 = arith.constant 0 : i32
    %c0_i32_1 = arith.constant 0 : i32
    return %c0_i32, %c0_i32_0 : i32, i32
  }
  func.func @transform_10(%arg0: i32, %arg1: memref<609xi32, #tpu.memory_space<smem>>, %arg2: memref<609xi32, #tpu.memory_space<smem>>) -> (i32, i32) {
    %c0_i32 = arith.constant 0 : i32
    %c0_i32_0 = arith.constant 0 : i32
    %c0_i32_1 = arith.constant 0 : i32
    return %c0_i32, %c0_i32_0 : i32, i32
  }
  func.func @transform_11(%arg0: i32, %arg1: memref<609xi32, #tpu.memory_space<smem>>, %arg2: memref<609xi32, #tpu.memory_space<smem>>) -> (i32, i32) {
    %c0_i32 = arith.constant 0 : i32
    %c0_i32_0 = arith.constant 0 : i32
    %c0_i32_1 = arith.constant 0 : i32
    return %c0_i32, %c0_i32_0 : i32, i32
  }
  func.func @transform_12(%arg0: i32, %arg1: memref<609xi32, #tpu.memory_space<smem>>, %arg2: memref<609xi32, #tpu.memory_space<smem>>) -> (i32, i32) {
    %c0_i32 = arith.constant 0 : i32
    %c0_i32_0 = arith.constant 0 : i32
    %c0_i32_1 = arith.constant 0 : i32
    return %c0_i32, %c0_i32_0 : i32, i32
  }
  func.func @transform_13(%arg0: i32, %arg1: memref<609xi32, #tpu.memory_space<smem>>, %arg2: memref<609xi32, #tpu.memory_space<smem>>) -> (i32, i32) {
    %c0_i32 = arith.constant 0 : i32
    %c0_i32_0 = arith.constant 0 : i32
    %c0_i32_1 = arith.constant 0 : i32
    return %c0_i32, %c0_i32_0 : i32, i32
  }
  func.func @transform_14(%arg0: i32, %arg1: memref<609xi32, #tpu.memory_space<smem>>, %arg2: memref<609xi32, #tpu.memory_space<smem>>) -> (i32, i32, i32) {
    %get3A = arith.index_cast %arg0 : i32 to index
    %get3A_0 = memref.load %arg1[%get3A] : memref<609xi32, #tpu.memory_space<smem>>
    %c0_i32 = arith.constant 0 : i32
    %c0_i32_1 = arith.constant 0 : i32
    %c0_i32_2 = arith.constant 0 : i32
    return %get3A_0, %c0_i32, %c0_i32_1 : i32, i32, i32
  }
}

module attributes {stable_mosaic.version = 14 : i64} {
  func.func @body(%arg0: i32, %arg1: memref<609xi32, #tpu.memory_space<smem>>, %arg2: memref<609xi32, #tpu.memory_space<smem>>, %arg3: memref<256x64xf32, #tpu.memory_space<vmem>>, %arg4: memref<256x64xf32, #tpu.memory_space<vmem>>, %arg5: memref<256x16xf32, #tpu.memory_space<vmem>>, %arg6: memref<256x4xf32, #tpu.memory_space<vmem>>, %arg7: memref<72x64xf32, #tpu.memory_space<vmem>>, %arg8: memref<72x64xf32, #tpu.memory_space<vmem>>, %arg9: memref<64x64xf32, #tpu.memory_space<vmem>>, %arg10: memref<64x64xf32, #tpu.memory_space<vmem>>, %arg11: memref<64x64xf32, #tpu.memory_space<vmem>>, %arg12: memref<64x64xf32, #tpu.memory_space<vmem>>, %arg13: memref<1x64x64xf32, #tpu.memory_space<vmem>>, %arg14: memref<1x64x64xf32, #tpu.memory_space<vmem>>, %arg15: memref<256x64xf32, #tpu.memory_space<vmem>>, %arg16: memref<256x64xf32, #tpu.memory_space<vmem>>) attributes {dimension_semantics = [#tpu.dimension_semantics<arbitrary>], iteration_bounds = array<i64: 609>, scalar_prefetch = 2 : i64, scratch_operands = 0 : i64, tpu.core_type = #tpu.core_type<tc>, window_params = [{transform_indices = @transform_0, window_bounds = array<i64: 256, 64>}, {transform_indices = @transform_1, window_bounds = array<i64: 256, 64>}, {transform_indices = @transform_2, window_bounds = array<i64: 256, 16>}, {transform_indices = @transform_3, window_bounds = array<i64: 256, 4>}, {pipeline_mode = #tpu.pipeline_mode<synchronous>, transform_indices = @transform_4, window_bounds = array<i64: 72, 64>}, {pipeline_mode = #tpu.pipeline_mode<synchronous>, transform_indices = @transform_5, window_bounds = array<i64: 72, 64>}, {pipeline_mode = #tpu.pipeline_mode<synchronous>, transform_indices = @transform_6, window_bounds = array<i64: 64, 64>}, {pipeline_mode = #tpu.pipeline_mode<synchronous>, transform_indices = @transform_7, window_bounds = array<i64: 64, 64>}, {pipeline_mode = #tpu.pipeline_mode<synchronous>, transform_indices = @transform_8, window_bounds = array<i64: 64, 64>}, {pipeline_mode = #tpu.pipeline_mode<synchronous>, transform_indices = @transform_9, window_bounds = array<i64: 64, 64>}, {transform_indices = @transform_10, window_bounds = array<i64: 1, 64, 64>}, {transform_indices = @transform_11, window_bounds = array<i64: 1, 64, 64>}, {transform_indices = @transform_12, window_bounds = array<i64: 256, 64>}, {transform_indices = @transform_13, window_bounds = array<i64: 256, 64>}]} {
    %get3A = arith.index_cast %arg0 : i32 to index
    %get3A_0 = memref.load %arg1[%get3A] : memref<609xi32, #tpu.memory_space<smem>>
    %get3A_1 = arith.constant 0 : index
    %get3A_2 = arith.constant 0 : index
    %get3A_3 = vector.load %arg3[%get3A_1, %get3A_2] : memref<256x64xf32, #tpu.memory_space<vmem>>, vector<256x64xf32>
    %get3A_4 = arith.constant 0 : index
    %get3A_5 = arith.constant 0 : index
    %get3A_6 = vector.load %arg4[%get3A_4, %get3A_5] : memref<256x64xf32, #tpu.memory_space<vmem>>, vector<256x64xf32>
    %get3A_7 = arith.constant 0 : index
    %get3A_8 = arith.constant 0 : index
    %get3A_9 = vector.load %arg5[%get3A_7, %get3A_8] : memref<256x16xf32, #tpu.memory_space<vmem>>, vector<256x16xf32>
    %get3A_10 = arith.constant 0 : index
    %get3A_11 = arith.constant 0 : index
    %get3A_12 = vector.load %arg6[%get3A_10, %get3A_11] : memref<256x4xf32, #tpu.memory_space<vmem>>, vector<256x4xf32>
    %get3A_13 = arith.constant 0 : index
    %get3A_14 = arith.constant 0 : index
    %get3A_15 = vector.load %arg9[%get3A_13, %get3A_14] : memref<64x64xf32, #tpu.memory_space<vmem>>, vector<64x64xf32>
    %get3A_16 = arith.constant 0 : index
    %get3A_17 = arith.constant 0 : index
    %get3A_18 = vector.load %arg10[%get3A_16, %get3A_17] : memref<64x64xf32, #tpu.memory_space<vmem>>, vector<64x64xf32>
    %get3A_19 = arith.constant 0 : index
    %get3A_20 = arith.constant 0 : index
    %get3A_21 = vector.load %arg11[%get3A_19, %get3A_20] : memref<64x64xf32, #tpu.memory_space<vmem>>, vector<64x64xf32>
    %get3A_22 = arith.constant 0 : index
    %get3A_23 = arith.constant 0 : index
    %get3A_24 = vector.load %arg12[%get3A_22, %get3A_23] : memref<64x64xf32, #tpu.memory_space<vmem>>, vector<64x64xf32>
    %slice3A = vector.extract_strided_slice %get3A_12 {offsets = [0, 2], sizes = [256, 1], strides = [1, 1]} : vector<256x4xf32> to vector<256x1xf32>
    %slice3A_25 = vector.extract_strided_slice %get3A_9 {offsets = [0, 0], sizes = [256, 1], strides = [1, 1]} : vector<256x16xf32> to vector<256x1xf32>
    %eq3A = arith.constant 0.000000e+00 : f32
    %eq3A_26 = vector.broadcast %eq3A : f32 to vector<256x1xf32>
    %eq3A_27 = arith.cmpf oeq, %slice3A_25, %eq3A_26 : vector<256x1xf32>
    %convert_element_type3A = arith.extui %eq3A_27 : vector<256x1xi1> to vector<256x1xi32>
    %convert_element_type3A_28 = arith.sitofp %convert_element_type3A : vector<256x1xi32> to vector<256x1xf32>
    %mul3A = arith.mulf %convert_element_type3A_28, %slice3A : vector<256x1xf32>
    %eq3A_29 = arith.constant 1.000000e+00 : f32
    %eq3A_30 = vector.broadcast %eq3A_29 : f32 to vector<256x1xf32>
    %eq3A_31 = arith.cmpf oeq, %slice3A_25, %eq3A_30 : vector<256x1xf32>
    %convert_element_type3A_32 = arith.extui %eq3A_31 : vector<256x1xi1> to vector<256x1xi32>
    %convert_element_type3A_33 = arith.sitofp %convert_element_type3A_32 : vector<256x1xi32> to vector<256x1xf32>
    %mul3A_34 = arith.mulf %convert_element_type3A_33, %slice3A : vector<256x1xf32>
    %mul3A_35 = vector.broadcast %mul3A : vector<256x1xf32> to vector<256x64xf32>
    %mul3A_36 = arith.mulf %get3A_3, %mul3A_35 : vector<256x64xf32>
    %mul3A_37 = vector.broadcast %mul3A : vector<256x1xf32> to vector<256x64xf32>
    %mul3A_38 = arith.mulf %get3A_6, %mul3A_37 : vector<256x64xf32>
    %mul3A_39 = vector.broadcast %mul3A_34 : vector<256x1xf32> to vector<256x64xf32>
    %mul3A_40 = arith.mulf %get3A_3, %mul3A_39 : vector<256x64xf32>
    %mul3A_41 = vector.broadcast %mul3A_34 : vector<256x1xf32> to vector<256x64xf32>
    %mul3A_42 = arith.mulf %get3A_6, %mul3A_41 : vector<256x64xf32>
    %get3A_43 = arith.index_cast %get3A_0 : i32 to index
    %get3A_44 = arith.constant 0 : index
    %get3A_45 = vector.load %arg7[%get3A_43, %get3A_44] : memref<72x64xf32, #tpu.memory_space<vmem>>, vector<1x64xf32>
    %get3A_46 = arith.index_cast %get3A_0 : i32 to index
    %get3A_47 = arith.constant 0 : index
    %get3A_48 = vector.load %arg8[%get3A_46, %get3A_47] : memref<72x64xf32, #tpu.memory_space<vmem>>, vector<1x64xf32>
    %dot_general3A = arith.constant dense<0.000000e+00> : vector<256x64xf32>
    %dot_general3A_49 = tpu.matmul %mul3A_36, %get3A_15, %dot_general3A {dimension_numbers = #tpu.dot_dimension_numbers<[1], [0], [0], [1], [0, 0, 1, 1], [], []>, transpose_lhs_hint = false} : vector<256x64xf32>, vector<64x64xf32>, vector<256x64xf32> -> vector<256x64xf32>
    %dot_general3A_50 = arith.constant dense<0.000000e+00> : vector<256x64xf32>
    %dot_general3A_51 = tpu.matmul %mul3A_38, %get3A_18, %dot_general3A_50 {dimension_numbers = #tpu.dot_dimension_numbers<[1], [0], [0], [1], [0, 0, 1, 1], [], []>, transpose_lhs_hint = false} : vector<256x64xf32>, vector<64x64xf32>, vector<256x64xf32> -> vector<256x64xf32>
    %sub3A = arith.subf %dot_general3A_49, %dot_general3A_51 : vector<256x64xf32>
    %dot_general3A_52 = arith.constant dense<0.000000e+00> : vector<256x64xf32>
    %dot_general3A_53 = tpu.matmul %mul3A_36, %get3A_18, %dot_general3A_52 {dimension_numbers = #tpu.dot_dimension_numbers<[1], [0], [0], [1], [0, 0, 1, 1], [], []>, transpose_lhs_hint = false} : vector<256x64xf32>, vector<64x64xf32>, vector<256x64xf32> -> vector<256x64xf32>
    %dot_general3A_54 = arith.constant dense<0.000000e+00> : vector<256x64xf32>
    %dot_general3A_55 = tpu.matmul %mul3A_38, %get3A_15, %dot_general3A_54 {dimension_numbers = #tpu.dot_dimension_numbers<[1], [0], [0], [1], [0, 0, 1, 1], [], []>, transpose_lhs_hint = false} : vector<256x64xf32>, vector<64x64xf32>, vector<256x64xf32> -> vector<256x64xf32>
    %add3A = arith.addf %dot_general3A_53, %dot_general3A_55 : vector<256x64xf32>
    %dot_general3A_56 = arith.constant dense<0.000000e+00> : vector<256x64xf32>
    %dot_general3A_57 = tpu.matmul %mul3A_40, %get3A_21, %dot_general3A_56 {dimension_numbers = #tpu.dot_dimension_numbers<[1], [0], [0], [1], [0, 0, 1, 1], [], []>, transpose_lhs_hint = false} : vector<256x64xf32>, vector<64x64xf32>, vector<256x64xf32> -> vector<256x64xf32>
    %dot_general3A_58 = arith.constant dense<0.000000e+00> : vector<256x64xf32>
    %dot_general3A_59 = tpu.matmul %mul3A_42, %get3A_24, %dot_general3A_58 {dimension_numbers = #tpu.dot_dimension_numbers<[1], [0], [0], [1], [0, 0, 1, 1], [], []>, transpose_lhs_hint = false} : vector<256x64xf32>, vector<64x64xf32>, vector<256x64xf32> -> vector<256x64xf32>
    %sub3A_60 = arith.subf %dot_general3A_57, %dot_general3A_59 : vector<256x64xf32>
    %dot_general3A_61 = arith.constant dense<0.000000e+00> : vector<256x64xf32>
    %dot_general3A_62 = tpu.matmul %mul3A_40, %get3A_24, %dot_general3A_61 {dimension_numbers = #tpu.dot_dimension_numbers<[1], [0], [0], [1], [0, 0, 1, 1], [], []>, transpose_lhs_hint = false} : vector<256x64xf32>, vector<64x64xf32>, vector<256x64xf32> -> vector<256x64xf32>
    %dot_general3A_63 = arith.constant dense<0.000000e+00> : vector<256x64xf32>
    %dot_general3A_64 = tpu.matmul %mul3A_42, %get3A_21, %dot_general3A_63 {dimension_numbers = #tpu.dot_dimension_numbers<[1], [0], [0], [1], [0, 0, 1, 1], [], []>, transpose_lhs_hint = false} : vector<256x64xf32>, vector<64x64xf32>, vector<256x64xf32> -> vector<256x64xf32>
    %add3A_65 = arith.addf %dot_general3A_62, %dot_general3A_64 : vector<256x64xf32>
    %add3A_66 = vector.broadcast %get3A_45 : vector<1x64xf32> to vector<256x64xf32>
    %add3A_67 = arith.addf %sub3A, %add3A_66 : vector<256x64xf32>
    %mul3A_68 = arith.constant 5.000000e-01 : f32
    %mul3A_69 = vector.broadcast %mul3A_68 : f32 to vector<256x64xf32>
    %mul3A_70 = arith.mulf %mul3A_69, %add3A_67 : vector<256x64xf32>
    %mul3A_71 = vector.broadcast %mul3A : vector<256x1xf32> to vector<256x64xf32>
    %mul3A_72 = arith.mulf %mul3A_70, %mul3A_71 : vector<256x64xf32>
    %add3A_73 = vector.broadcast %get3A_48 : vector<1x64xf32> to vector<256x64xf32>
    %add3A_74 = arith.addf %add3A, %add3A_73 : vector<256x64xf32>
    %mul3A_75 = arith.constant 5.000000e-01 : f32
    %mul3A_76 = vector.broadcast %mul3A_75 : f32 to vector<256x64xf32>
    %mul3A_77 = arith.mulf %mul3A_76, %add3A_74 : vector<256x64xf32>
    %mul3A_78 = vector.broadcast %mul3A : vector<256x1xf32> to vector<256x64xf32>
    %mul3A_79 = arith.mulf %mul3A_77, %mul3A_78 : vector<256x64xf32>
    %sub3A_80 = vector.broadcast %get3A_45 : vector<1x64xf32> to vector<256x64xf32>
    %sub3A_81 = arith.subf %sub3A_60, %sub3A_80 : vector<256x64xf32>
    %mul3A_82 = vector.broadcast %mul3A_34 : vector<256x1xf32> to vector<256x64xf32>
    %mul3A_83 = arith.mulf %sub3A_81, %mul3A_82 : vector<256x64xf32>
    %add3A_84 = arith.addf %mul3A_72, %mul3A_83 : vector<256x64xf32>
    %sub3A_85 = vector.broadcast %get3A_48 : vector<1x64xf32> to vector<256x64xf32>
    %sub3A_86 = arith.subf %add3A_65, %sub3A_85 : vector<256x64xf32>
    %mul3A_87 = vector.broadcast %mul3A_34 : vector<256x1xf32> to vector<256x64xf32>
    %mul3A_88 = arith.mulf %sub3A_86, %mul3A_87 : vector<256x64xf32>
    %add3A_89 = arith.addf %mul3A_79, %mul3A_88 : vector<256x64xf32>
    %get3A_90 = arith.constant 0 : index
    %get3A_91 = arith.constant 0 : index
    %get3A_92 = arith.constant 0 : index
    %get3A_93 = vector.load %arg13[%get3A_90, %get3A_91, %get3A_92] : memref<1x64x64xf32, #tpu.memory_space<vmem>>, vector<1x64x64xf32>
    %get3A_94 = vector.shape_cast %get3A_93 : vector<1x64x64xf32> to vector<64x64xf32>
    %get3A_95 = arith.constant 0 : index
    %get3A_96 = arith.constant 0 : index
    %get3A_97 = arith.constant 0 : index
    %get3A_98 = vector.load %arg14[%get3A_95, %get3A_96, %get3A_97] : memref<1x64x64xf32, #tpu.memory_space<vmem>>, vector<1x64x64xf32>
    %get3A_99 = vector.shape_cast %get3A_98 : vector<1x64x64xf32> to vector<64x64xf32>
    %dot_general3A_100 = arith.constant dense<0.000000e+00> : vector<256x64xf32>
    %dot_general3A_101 = tpu.matmul %add3A_84, %get3A_94, %dot_general3A_100 {dimension_numbers = #tpu.dot_dimension_numbers<[1], [0], [0], [1], [0, 0, 1, 1], [], []>, transpose_lhs_hint = false} : vector<256x64xf32>, vector<64x64xf32>, vector<256x64xf32> -> vector<256x64xf32>
    %dot_general3A_102 = arith.constant dense<0.000000e+00> : vector<256x64xf32>
    %dot_general3A_103 = tpu.matmul %add3A_89, %get3A_99, %dot_general3A_102 {dimension_numbers = #tpu.dot_dimension_numbers<[1], [0], [0], [1], [0, 0, 1, 1], [], []>, transpose_lhs_hint = false} : vector<256x64xf32>, vector<64x64xf32>, vector<256x64xf32> -> vector<256x64xf32>
    %sub3A_104 = arith.subf %dot_general3A_101, %dot_general3A_103 : vector<256x64xf32>
    %swap3A = arith.constant 0 : index
    %swap3A_105 = arith.constant 0 : index
    %swap3A_106 = vector.load %arg15[%swap3A, %swap3A_105] : memref<256x64xf32, #tpu.memory_space<vmem>>, vector<256x64xf32>
    tpu.vector_store %arg15[%swap3A, %swap3A_105], %sub3A_104 {strides = array<i32>} : memref<256x64xf32, #tpu.memory_space<vmem>>, vector<256x64xf32>,
    %dot_general3A_107 = arith.constant dense<0.000000e+00> : vector<256x64xf32>
    %dot_general3A_108 = tpu.matmul %add3A_84, %get3A_99, %dot_general3A_107 {dimension_numbers = #tpu.dot_dimension_numbers<[1], [0], [0], [1], [0, 0, 1, 1], [], []>, transpose_lhs_hint = false} : vector<256x64xf32>, vector<64x64xf32>, vector<256x64xf32> -> vector<256x64xf32>
    %dot_general3A_109 = arith.constant dense<0.000000e+00> : vector<256x64xf32>
    %dot_general3A_110 = tpu.matmul %add3A_89, %get3A_94, %dot_general3A_109 {dimension_numbers = #tpu.dot_dimension_numbers<[1], [0], [0], [1], [0, 0, 1, 1], [], []>, transpose_lhs_hint = false} : vector<256x64xf32>, vector<64x64xf32>, vector<256x64xf32> -> vector<256x64xf32>
    %add3A_111 = arith.addf %dot_general3A_108, %dot_general3A_110 : vector<256x64xf32>
    %swap3A_112 = arith.constant 0 : index
    %swap3A_113 = arith.constant 0 : index
    %swap3A_114 = vector.load %arg16[%swap3A_112, %swap3A_113] : memref<256x64xf32, #tpu.memory_space<vmem>>, vector<256x64xf32>
    tpu.vector_store %arg16[%swap3A_112, %swap3A_113], %add3A_111 {strides = array<i32>} : memref<256x64xf32, #tpu.memory_space<vmem>>, vector<256x64xf32>,
    return
  }
  func.func @transform_0(%arg0: i32, %arg1: memref<609xi32, #tpu.memory_space<smem>>, %arg2: memref<609xi32, #tpu.memory_space<smem>>) -> (i32, i32) {
    %c0_i32 = arith.constant 0 : i32
    %c0_i32_0 = arith.constant 0 : i32
    return %arg0, %c0_i32 : i32, i32
  }
  func.func @transform_1(%arg0: i32, %arg1: memref<609xi32, #tpu.memory_space<smem>>, %arg2: memref<609xi32, #tpu.memory_space<smem>>) -> (i32, i32) {
    %c0_i32 = arith.constant 0 : i32
    %c0_i32_0 = arith.constant 0 : i32
    return %arg0, %c0_i32 : i32, i32
  }
  func.func @transform_2(%arg0: i32, %arg1: memref<609xi32, #tpu.memory_space<smem>>, %arg2: memref<609xi32, #tpu.memory_space<smem>>) -> (i32, i32) {
    %c0_i32 = arith.constant 0 : i32
    %c0_i32_0 = arith.constant 0 : i32
    return %arg0, %c0_i32 : i32, i32
  }
  func.func @transform_3(%arg0: i32, %arg1: memref<609xi32, #tpu.memory_space<smem>>, %arg2: memref<609xi32, #tpu.memory_space<smem>>) -> (i32, i32) {
    %c0_i32 = arith.constant 0 : i32
    %c0_i32_0 = arith.constant 0 : i32
    return %arg0, %c0_i32 : i32, i32
  }
  func.func @transform_4(%arg0: i32, %arg1: memref<609xi32, #tpu.memory_space<smem>>, %arg2: memref<609xi32, #tpu.memory_space<smem>>) -> (i32, i32) {
    %c0_i32 = arith.constant 0 : i32
    %c0_i32_0 = arith.constant 0 : i32
    %c0_i32_1 = arith.constant 0 : i32
    return %c0_i32, %c0_i32_0 : i32, i32
  }
  func.func @transform_5(%arg0: i32, %arg1: memref<609xi32, #tpu.memory_space<smem>>, %arg2: memref<609xi32, #tpu.memory_space<smem>>) -> (i32, i32) {
    %c0_i32 = arith.constant 0 : i32
    %c0_i32_0 = arith.constant 0 : i32
    %c0_i32_1 = arith.constant 0 : i32
    return %c0_i32, %c0_i32_0 : i32, i32
  }
  func.func @transform_6(%arg0: i32, %arg1: memref<609xi32, #tpu.memory_space<smem>>, %arg2: memref<609xi32, #tpu.memory_space<smem>>) -> (i32, i32) {
    %c0_i32 = arith.constant 0 : i32
    %c0_i32_0 = arith.constant 0 : i32
    %c0_i32_1 = arith.constant 0 : i32
    return %c0_i32, %c0_i32_0 : i32, i32
  }
  func.func @transform_7(%arg0: i32, %arg1: memref<609xi32, #tpu.memory_space<smem>>, %arg2: memref<609xi32, #tpu.memory_space<smem>>) -> (i32, i32) {
    %c0_i32 = arith.constant 0 : i32
    %c0_i32_0 = arith.constant 0 : i32
    %c0_i32_1 = arith.constant 0 : i32
    return %c0_i32, %c0_i32_0 : i32, i32
  }
  func.func @transform_8(%arg0: i32, %arg1: memref<609xi32, #tpu.memory_space<smem>>, %arg2: memref<609xi32, #tpu.memory_space<smem>>) -> (i32, i32) {
    %c0_i32 = arith.constant 0 : i32
    %c0_i32_0 = arith.constant 0 : i32
    %c0_i32_1 = arith.constant 0 : i32
    return %c0_i32, %c0_i32_0 : i32, i32
  }
  func.func @transform_9(%arg0: i32, %arg1: memref<609xi32, #tpu.memory_space<smem>>, %arg2: memref<609xi32, #tpu.memory_space<smem>>) -> (i32, i32) {
    %c0_i32 = arith.constant 0 : i32
    %c0_i32_0 = arith.constant 0 : i32
    %c0_i32_1 = arith.constant 0 : i32
    return %c0_i32, %c0_i32_0 : i32, i32
  }
  func.func @transform_10(%arg0: i32, %arg1: memref<609xi32, #tpu.memory_space<smem>>, %arg2: memref<609xi32, #tpu.memory_space<smem>>) -> (i32, i32, i32) {
    %get3A = arith.index_cast %arg0 : i32 to index
    %get3A_0 = memref.load %arg1[%get3A] : memref<609xi32, #tpu.memory_space<smem>>
    %c0_i32 = arith.constant 0 : i32
    %c0_i32_1 = arith.constant 0 : i32
    %c0_i32_2 = arith.constant 0 : i32
    return %get3A_0, %c0_i32, %c0_i32_1 : i32, i32, i32
  }
  func.func @transform_11(%arg0: i32, %arg1: memref<609xi32, #tpu.memory_space<smem>>, %arg2: memref<609xi32, #tpu.memory_space<smem>>) -> (i32, i32, i32) {
    %get3A = arith.index_cast %arg0 : i32 to index
    %get3A_0 = memref.load %arg1[%get3A] : memref<609xi32, #tpu.memory_space<smem>>
    %c0_i32 = arith.constant 0 : i32
    %c0_i32_1 = arith.constant 0 : i32
    %c0_i32_2 = arith.constant 0 : i32
    return %get3A_0, %c0_i32, %c0_i32_1 : i32, i32, i32
  }
  func.func @transform_12(%arg0: i32, %arg1: memref<609xi32, #tpu.memory_space<smem>>, %arg2: memref<609xi32, #tpu.memory_space<smem>>) -> (i32, i32) {
    %c0_i32 = arith.constant 0 : i32
    %c0_i32_0 = arith.constant 0 : i32
    return %arg0, %c0_i32 : i32, i32
  }
  func.func @transform_13(%arg0: i32, %arg1: memref<609xi32, #tpu.memory_space<smem>>, %arg2: memref<609xi32, #tpu.memory_space<smem>>) -> (i32, i32) {
    %c0_i32 = arith.constant 0 : i32
    %c0_i32_0 = arith.constant 0 : i32
    return %arg0, %c0_i32 : i32, i32
  }
}

</mosaic_0001>

<sc_bundles>
// kernel: kernel.11.cloned.1.call-start
scs
__scs_entry_jumppad:
0x0: {  	(pc) =	sbr.rel $0x88, $3  }
0x1: {  	(tag) =	ssettag $0x0;
	lr =	simm.s32 $0x1  }
0x2: {  	[smem:$0x3F96] =	sst lr;
	_ =	strace $0xD0000000  }
0x3: {  	_ = 	snop  }
0x4: {  	_ = 	snop  }
0x5: {  	_ = 	snop  }
0x6: {  	_ = 	snop  }
0x7: {  	_ = 	snop  }
__scs_overlays_trampoline_lowered:
0x8: {  	[smem:$0x3FA5] =	sst s0  }
0x9: {  	[smem:$0x3FA6] =	sst s1  }
0xa: {  	[smem:$0x3FA7] =	sst s2  }
0xb: {  	[smem:$0x3FA8] =	sst s3  }
0xc: {  	[smem:$0x3FA9] =	sst s4  }
0xd: {  	[smem:$0x3FAA] =	sst s5  }
0xe: {  	[smem:$0x3FAB] =	sst s6  }
0xf: {  	[smem:$0x3FAC] =	sst s7  }
0x10: {  	[smem:$0x3FAD] =	sst s8  }
0x11: {  	[smem:$0x3FAE] =	sst s9;
	s0 =	simm.s32 @!p0 $0x0  }
0x12: {  	s1 =	sld [smem:$0x3F94];
	s0 =	simm.s32 @p0 $0x1  }
0x13: {  	[smem:$0x3FAF] =	sst s0;
	s0 =	simm.s32 @!p1 $0x0  }
0x14: {  	s2 =	sld [smem:$0x3F93];
	s0 =	simm.s32 @p1 $0x1  }
0x15: {  	[smem:$0x3FB0] =	sst s0;
	s0 =	simm.s32 @!p2 $0x0  }
0x16: {  	s3 =	sld [smem:$0x3FDB];
	s0 =	simm.s32 @p2 $0x1  }
0x17: {  	s4 =	simm.s32 $0x1BF5;
	[smem:$0x3FB2] =	sst s0  }
0x18: {  	s0 =	sld [smem:$0x3F95];
	_ =	swait.ge [sflag:s4], $0x0  }
0x19: {  	s7 =	sld [smem:$0x3F96]  }
0x1a: {  	s8 =	sadd.s32 $0xFFFFE003, lr  }
0x1b: {  	s9 =	sadd.s32 $0xFFFFFEF7, lr;
	s5 =	simm.s32 $0xFFFFFFFF;
	p2 =	slt.u32 s8, $0xFFFFF086  }
0x1c: {  	p1 =	slt.u32 s9, $0xF7A;
	s5 =	simm.s32 @!p2 $0x0  }
0x1d: {  	s5 =	simm.s32 @p1 $0x1;
	p0 =	seq.s32 s7, s2  }
0x1e: {  	s7 =	smul.u32 @!p0 $0xF7A, s2;
	p2 =	seq.s32 @!p0 s5, $0x0  }
0x1f: {  	s9 =	smul.u32 $0xF7A, s1;
	s8 =	simm.s32 @!p0 $0x1BF5;
	p2 =	por !p2, p0  }
0x20: {  	[sflag:s8] =	ssyncset.s32 @!p0 $0xFFFFF086;
	s6 =	sadd.s32 @!p0 s3, s7;
	s7 =	simm.s32 @!p0 $0x108  }
0x21: {  	s3 =	sadd.s32 s3, s9;
	s6 =	sadd.s32 @!p0 $0x88, s6;
	s7 =	simm.s32 @p2 $0x1082  }
0x22: {  	[simem:s7], [sflag:s8] =	dma.local @!p0 [hbm:s6], $0xF7A  }
0x23: {  	s9 =	sor.u32 $0xD0000000, s2;
	s6 =	simm.s32 $0x108;
	_ =	swait.ge @!p0 [sflag:s8], $0x0  }
0x24: {  	s3 =	sadd.s32 $0x88, s3;
	s6 =	simm.s32 @!p1 $0x1082;
	[sflag:s4] =	ssyncset.s32 $0xFFFFF086  }
0x25: {  	[simem:s6], [sflag:s4] =	dma.local [hbm:s3], $0xF7A  }
0x26: {  	[smem:$0x3F96] =	sst s1;
	(tag) =	ssettag s2;
	_ =	strace s9  }
0x27: {  	s1 =	sld [smem:$0x3FA6]  }
0x28: {  	s2 =	sld [smem:$0x3FA7]  }
0x29: {  	s4 =	sld [smem:$0x3FA9]  }
0x2a: {  	p0 =	seq.s32 s5, $0x0;
	s5 =	sld [smem:$0x3FAA]  }
0x2b: {  	s6 =	sld [smem:$0x3FAB]  }
0x2c: {  	s7 =	sld [smem:$0x3FAC]  }
0x2d: {  	s3 =	simm.s32 $0x108;
	s8 =	sld [smem:$0x3FAD]  }
0x2e: {  	s3 =	simm.s32 @!p0 $0x1082;
	s9 =	sld [smem:$0x3FAE]  }
0x2f: {  	lr =	sadd.s32 s0, s3;
	s0 =	sld [smem:$0x3FA5]  }
0x30: {  	s3 =	sld [smem:$0x3FA8]  }
0x31: {  	[smem:$0x3FB1] =	sst s10  }
0x32: {  	s10 =	sld [smem:$0x3FAF];
	_ =	sdelay $0x3  }
0x33: {  	p0 =	seq.s32 s10, $0x1;
	s10 =	sld [smem:$0x3FB1];
	_ =	sdelay $0x3  }
0x34: {  	[smem:$0x3FB1] =	sst s10  }
0x35: {  	s10 =	sld [smem:$0x3FB0];
	_ =	sdelay $0x3  }
0x36: {  	p1 =	seq.s32 s10, $0x1;
	s10 =	sld [smem:$0x3FB1];
	_ =	sdelay $0x3  }
0x37: {  	[smem:$0x3FB1] =	sst s10  }
0x38: {  	s10 =	sld [smem:$0x3FB2]  }
0x39: {  	_ = 	snop;
	(pc) =	sbr.ind lr, $3  }
0x3a: {  	_ = 	snop  }
0x3b: {  	_ = 	snop  }
0x3c: {  	p2 =	seq.s32 s10, $0x1;
	s10 =	sld [smem:$0x3FB1]  }
0x3d: {  	_ =	shalt  }
0x3e: {  	_ =	shalt  }
0x3f: {  	_ =	shalt  }
0x40: {  	_ =	shalt  }
0x41: {  	_ =	shalt  }
0x42: {  	_ =	shalt  }
0x43: {  	_ =	shalt  }
0x44: {  	_ =	shalt  }
0x45: {  	_ =	shalt  }
0x46: {  	_ =	shalt  }
0x47: {  	_ =	shalt  }
0x48: {  	_ =	shalt  }
0x49: {  	_ =	shalt  }
0x4a: {  	_ =	shalt  }
0x4b: {  	_ =	shalt  }
0x4c: {  	_ =	shalt  }
0x4d: {  	_ =	shalt  }
0x4e: {  	_ =	shalt  }
0x4f: {  	_ =	shalt  }
0x50: {  	_ =	shalt  }
0x51: {  	_ =	shalt  }
0x52: {  	_ =	shalt  }
0x53: {  	_ =	shalt  }
0x54: {  	_ =	shalt  }
0x55: {  	_ =	shalt  }
0x56: {  	_ =	shalt  }
0x57: {  	_ =	shalt  }
0x58: {  	_ =	shalt  }
0x59: {  	_ =	shalt  }
0x5a: {  	_ =	shalt  }
0x5b: {  	_ =	shalt  }
0x5c: {  	_ =	shalt  }
0x5d: {  	_ =	shalt  }
0x5e: {  	_ =	shalt  }
0x5f: {  	_ =	shalt  }
0x60: {  	_ =	shalt  }
0x61: {  	_ =	shalt  }
0x62: {  	_ =	shalt  }
0x63: {  	_ =	shalt  }
0x64: {  	_ =	shalt  }
0x65: {  	_ =	shalt  }
0x66: {  	_ =	shalt  }
0x67: {  	_ =	shalt  }
0x68: {  	_ =	shalt  }
0x69: {  	_ =	shalt  }
0x6a: {  	_ =	shalt  }
0x6b: {  	_ =	shalt  }
0x6c: {  	_ =	shalt  }
0x6d: {  	_ =	shalt  }
0x6e: {  	_ =	shalt  }
0x6f: {  	_ =	shalt  }
0x70: {  	_ =	shalt  }
0x71: {  	_ =	shalt  }
0x72: {  	_ =	shalt  }
0x73: {  	_ =	shalt  }
0x74: {  	_ =	shalt  }
0x75: {  	_ =	shalt  }
0x76: {  	_ =	shalt  }
0x77: {  	_ =	shalt  }
0x78: {  	_ =	shalt  }
0x79: {  	_ =	shalt  }
0x7a: {  	_ =	shalt  }
0x7b: {  	_ =	shalt  }
0x7c: {  	_ =	shalt  }
0x7d: {  	_ =	shalt  }
0x7e: {  	_ =	shalt  }
0x7f: {  	_ =	shalt  }
0x80: {  	_ =	shalt  }
0x81: {  	_ =	shalt  }
0x82: {  	_ =	shalt  }
0x83: {  	_ =	shalt  }
0x84: {  	_ =	shalt  }
0x85: {  	_ =	shalt  }
0x86: {  	_ =	shalt  }
0x87: {  	_ =	shalt  }
.Lfunc_end0:
.L_simem_size_0:
called_computation.2_lowered:
.L_overlay_start_0:
0x88: {  	s2 =	sld [smem:$0x3FD9]  }
0x89: {  	s3 =	sld [smem:$0x3FFE];
	_ =	sdelay $0x1  }
0x8a: {  	s1 =	srdreg.scid  }
0x8b: {  	s0 =	sand.u32 $0x1, s1  }
0x8c: {  	s17 =	sshll.u32 s0, $0xA;
	s2 =	sadd.s32 s3, s2  }
0x8d: {  	s2 =	sadd.s32 s2, s17  }
0x8e: {  	[smem:$0x3FBD] =	sst s2  }
0x8f: {  	_ = 	snop  }
0x90: {  	s2 =	sld [smem:$0x3FD0];
	(tm) =	ssettm $0x1  }
0x91: {  	s18 =	sld [smem:$0x3FFB];
	_ =	sdelay $0x3  }
0x92: {  	_ =	strace s18  }
0x93: {  	s3 =	sld [smem:$0x3FFC];
	_ =	sdelay $0x3  }
0x94: {  	_ =	strace s3  }
0x95: {  	s3 =	sld [smem:$0x3FFD];
	_ =	sdelay $0x3  }
0x96: {  	_ =	strace s3  }
0x97: {  	_ =	strace $0x8FFFFFFF  }
0x98: {  	s19 =	sld [smem:$0x3FDB];
	_ =	sdelay $0x1  }
0x99: {  	s4 =	simm.s32 $_scs_section_size  }
0x9a: {  	s5 =	simm.s32 $_size__tile_overlayer_lowered;
	s6 =	simm.s32 $_tile_overlayer_lowered  }
0x9b: {  	s22 =	simm.s32 $0x1BFF;
	s21 =	sshll.u32 s6, $0x1;
	s3 =	sadd.s32 s4, s19  }
0x9c: {  	s7 =	simm.s32 $0x0;
	s20 =	sshll.u32 s5, $0x1;
	s5 =	sadd.s32 s21, s3  }
0x9d: {  	[timem:s7], [sflag:s22] =	dma.local [hbm:s5], s20  }
0x9e: {  	_ =	swait.ge [sflag:s22], s20  }
0x9f: {  	s4 =	ssub.s32 $0x0, s20;
	[sflag:s22] =	ssyncset.done $0x0  }
0xa0: {  	[sflag:s22] =	ssyncadd.s32 s4;
	_ =	sdelay $0x1  }
0xa1: {  	s23 =	simm.s32 $0x1B8B  }
0xa2: {  	_ =	swait.ge [sflag:s23], $0x1  }
0xa3: {  	[sflag:s23] =	ssyncset.done $0x0  }
0xa4: {  	s25 =	simm.s32 $0x1B8E;
	s24 =	sld [smem:$0x3FFE];
	[sflag:s23] =	ssyncadd.s32 $0xFFFFFFFF  }
0xa5: {  	s26 =	simm.s32 $execute0_lowered;
	[smem:$0x3FD2] =	sst s25  }
0xa6: {  	s5 =	sshll.u32 s26, $0x1;
	_ =	strace $0x80000049;
	[dreg:$0x1] =	wrdreg $0xFFFFFFFF  }
0xa7: {  	s28 =	simm.s32 $_size_execute0_lowered;
	s3 =	sadd.s32 s3, s5;
	[dreg:$0x0] =	wrdreg $0x0  }
0xa8: {  	s5 =	sshll.u32 s28, $0x1;
	[dreg:$0x2] =	wrdreg s3  }
0xa9: {  	[dreg:$0x3] =	wrdreg s5  }
0xaa: {  	[dreg:$0x4] =	wrdreg $0xC0  }
0xab: {  	_ =	task [dreg:s7], $0x5FFFF  }
0xac: {  	[dreg:$0x1] =	wrdreg $0xFFFFFFFF  }
0xad: {  	[dreg:$0x0] =	wrdreg $0x60  }
0xae: {  	[dreg:$0x2] =	wrdreg s2  }
0xaf: {  	[dreg:$0x3] =	wrdreg s24  }
0xb0: {  	[dreg:$0x4] =	wrdreg $0x9  }
0xb1: {  	_ =	task.clear_ibuf [dreg:s7], $0x5FFFF;
	_ =	strace $0x90000049  }
0xb2: {  	s29 =	simm.s32 $0x9;
	_ =	strace $0x8000004B  }
0xb3: {  	_ =	swait.ge [sflag:s29], $0x1  }
0xb4: {  	[sflag:s29] =	ssyncadd.s32 $0xFFFFFFFF  }
0xb5: {  	_ =	strace $0x9000004B  }
0xb6: {  	_ =	sfence  }
0xb7: {  	s30 =	sld [smem:$0x0];
	_ =	sdelay $0x2  }
0xb8: {  	s31 =	sshll.u32 s1, $0xD;
	s1 =	sshrl.u32 s1, $0x2  }
0xb9: {  	s3 =	sand.u32 $0x4000, s31;
	s1 =	sadd.s32 s1, s30  }
0xba: {  	s0 =	sor.u32 s3, s0;
	s1 =	sshll.u32 s1, $0x11  }
0xbb: {  	s0 =	sor.u32 s1, s0  }
0xbc: {  	s0 =	sadd.s32 $0x8F2B, s0  }
0xbd: {  	[sflag:s0] =	ssyncadd.remote.s32 $0x1  }
0xbe: {  	_ =	sfence.sel $0xFFFF  }
0xbf: {  	[dreg:$0x0] =	wrdreg $0xFFFFFFFF;
	(pc) =	sbr.abs _section_cstart, $3  }
0xc0: {  	[dreg:$0x1] =	wrdreg $0xFFFFFFFF  }
0xc1: {  	_ =	task.clear_ibuf [dreg:s7], $0x2FFFF;
	_ =	strace $0x9FFFFFFF  }
0xc2: {  	(tm) =	ssettm $0x7FFFFFFF  }
0xc3: {  	_ =	shalt  }
tec
execute0_lowered:
.L_overlay_start_1:
0x0: {  	(tag) =	ssettag $0x1  }
0x1: {  	s2 =	rddreg [dreg:$0x0]  }
0x2: {  	s5 =	rddreg [dreg:$0x1]  }
0x3: {  	s0 =	rddreg [dreg:$0x2];
	s1 =	stileid.u32  }
0x4: {  	s4 =	srdreg.scid;
	s3 =	simm.s32 $0x0;
	s7 =	smul.u32 $0x2400, s1  }
0x5: {  	s12 =	simm.s32 $0x1;
	s6 =	sand.u32 $0x1, s4;
	s9 =	smul.u32 $0x12000, s1  }
0x6: {  	s13 =	simm.s32 $0x0;
	[smem:$0x7FF] =	sst s3;
	s8 =	smul.u32 $0x1200, s6  }
0x7: {  	s4 =	sadd.s32 $0x3800, s5;
	s29 =	ssub.s32 $0x2, s6;
	s6 =	smul.u32 $0x9000, s6  }
0x8: {  	_ =	strace $0x8000004A;
	s9 =	sadd.s32 s9, s5;
	s10 =	sshrl.u32 s29, $0x1  }
0x9: {  	s7 =	sadd.s32 s8, s7;
	s30 =	ssub.s32 s29, s10;
	s31 =	sadd.s32 s6, s9  }
0xa: {  	s9 =	simm.s32 $0x2;
	s10 =	simm.s32 $0x80;
	s7 =	sshrl.u32 s7, $0x3  }
0xb: {  	s6 =	sadd.s32 $0x258800, s31;
	s11 =	sadd.s32 s7, s5;
	s5 =	smax.u32 s30, $0x1  }
0xc: {  	s7 =	sadd.s32 $0x138800, s31;
	s8 =	sadd.s32 $0x134000, s11;
	s11 =	simm.s32 $0x2080  }
.LBB2_1:
0xd: {  	[tilespmem:s3], [sflag:$0x2] =	stream.linear.gather [hbm4b:s8+s3], $0x80, $0x38;
	[tilespmem:$0x4080] =	vst v63  }
0xe: {  	_ =	swait.ge [sflag:s9], $0x80  }
0xf: {  	[sflag:s9] =	ssyncset.done $0x0  }
0x10: {  	[sflag:s9] =	ssyncadd.s32 $0xFFFFFF80  }
0x11: {  	[tilespmem:s10], [sflag:$0x1] =	stream.indirect.gather [hbm4b:s2+s10], $0x40, s3, s10, $0xb8;
	[tilespmem:$0x4080] =	vst v63  }
0x12: {  	_ = 	snop  }
0x13: {  	[tilespmem:s11], [sflag:$0x1] =	stream.indirect.gather [hbm4b:s4+s10], $0x40, s3, s10, $0xb8;
	[tilespmem:$0x4080] =	vst v63  }
0x14: {  	_ =	swait.ge [sflag:s12], $0x2000  }
0x15: {  	[sflag:s12] =	ssyncset.done $0x0  }
0x16: {  	[sflag:s12] =	ssyncadd.s32 $0xFFFFE000  }
0x17: {  	_ =	swait.ge [sflag:s12], $0x2000  }
0x18: {  	[sflag:s12] =	ssyncset.done $0x0  }
0x19: {  	s14 =	sadd.s32 $0x0, s7;
	[sflag:s12] =	ssyncadd.s32 $0xFFFFE000  }
0x1a: {  	[hbm4b:s14+s3] =	stream.linear.scatter [tilespmem:s10], [sflag:$0x2], $0x2000, $0x38;
	[tilespmem:$0x4080] =	vst v63  }
0x1b: {  	_ =	swait.ge [sflag:s9], $0x2000  }
0x1c: {  	[sflag:s9] =	ssyncset.done $0x0  }
0x1d: {  	s31 =	sadd.s32 $0x0, s6;
	[sflag:s9] =	ssyncadd.s32 $0xFFFFE000  }
0x1e: {  	[hbm4b:s31+s3] =	stream.linear.scatter [tilespmem:s11], [sflag:$0x2], $0x2000, $0x38;
	[tilespmem:$0x4080] =	vst v63  }
0x1f: {  	_ =	swait.ge [sflag:s9], $0x2000  }
0x20: {  	s15 =	smov.u32 s8;
	s14 =	simm.s32 $0x400;
	[sflag:s9] =	ssyncset.done $0x0  }
.LBB2_2:
0x21: {  	p0 =	sne.s32 s14, $0x8C00;
	[sflag:s9] =	ssyncadd.s32 $0xFFFFE000;
	s15 =	sadd.s32 $0x10, s15  }
0x22: {  	[tilespmem:s3], [sflag:$0x2] =	stream.linear.gather [hbm4b:s15+s3], $0x80, $0x38;
	[tilespmem:$0x4080] =	vst v63  }
0x23: {  	s16 =	smov.u32 s14;
	s14 =	sadd.s32 $0x400, s14;
	_ =	swait.ge [sflag:s9], $0x80  }
0x24: {  	[sflag:s9] =	ssyncset.done $0x0  }
0x25: {  	[sflag:s9] =	ssyncadd.s32 $0xFFFFFF80  }
0x26: {  	[tilespmem:s10], [sflag:$0x1] =	stream.indirect.gather [hbm4b:s2+s10], $0x40, s3, s10, $0xb8;
	[tilespmem:$0x4080] =	vst v63  }
0x27: {  	_ = 	snop  }
0x28: {  	[tilespmem:s11], [sflag:$0x1] =	stream.indirect.gather [hbm4b:s4+s10], $0x40, s3, s10, $0xb8;
	[tilespmem:$0x4080] =	vst v63  }
0x29: {  	_ =	swait.ge [sflag:s12], $0x2000  }
0x2a: {  	[sflag:s12] =	ssyncset.done $0x0  }
0x2b: {  	[sflag:s12] =	ssyncadd.s32 $0xFFFFE000  }
0x2c: {  	_ =	swait.ge [sflag:s12], $0x2000  }
0x2d: {  	[sflag:s12] =	ssyncset.done $0x0  }
0x2e: {  	s17 =	sadd.s32 s16, s7;
	[sflag:s12] =	ssyncadd.s32 $0xFFFFE000  }
0x2f: {  	[hbm4b:s17+s3] =	stream.linear.scatter [tilespmem:s10], [sflag:$0x2], $0x2000, $0x38;
	[tilespmem:$0x4080] =	vst v63  }
0x30: {  	_ =	swait.ge [sflag:s9], $0x2000  }
.Ltmp0:
0x31: {  	[sflag:s9] =	ssyncset.done $0x0;
	(pc) =	sbr.rel @p0 .LBB2_2-.Ltmp0, $4  }
0x32: {  	s16 =	sadd.s32 s16, s6;
	[sflag:s9] =	ssyncadd.s32 $0xFFFFE000  }
0x33: {  	[hbm4b:s16+s3] =	stream.linear.scatter [tilespmem:s11], [sflag:$0x2], $0x2000, $0x38;
	[tilespmem:$0x4080] =	vst v63  }
0x34: {  	_ =	swait.ge [sflag:s9], $0x2000  }
0x35: {  	[sflag:s9] =	ssyncset.done $0x0  }
0x36: {  	s13 =	sadd.s32 $0x1, s13  }
0x37: {  	p0 =	sne.s32 s13, s5  }
.Ltmp1:
0x38: {  	_ = 	snop;
	(pc) =	sbr.rel @p0 .LBB2_1-.Ltmp1, $2  }
0x39: {  	_ =	sdelay $0x2  }
0x3a: {  	[sflag:s9] =	ssyncadd.s32 $0xFFFFE000  }
0x3b: {  	_ =	sfence.sel $0x180000  }
0x3c: {  	[bflag:$0x0] =	sbarrier.arrive $0xFFFF  }
0x3d: {  	p0 =	sne.s32 s1, $0x0;
	_ =	strace $0x9000004A  }
0x3e: {  	s0 =	sadd.s32 @!p0 $0x100000, s0;
	[bflag:$0x2] =	sbarrier.arrive $0xFFFF  }
0x3f: {  	[sflag:s0] =	ssyncadd.tile.s32 @!p0 $0x1;
	_ =	shalt  }
.Lfunc_end2:
_tile_overlayer_lowered:
.L_overlay_start_2:
0x40: {  	(tag) =	ssettag $0x2  }
0x41: {  	s0 =	rddreg [dreg:$0x0];
	s2 =	stileid.u32  }
0x42: {  	s1 =	rddreg [dreg:$0x1];
	p0 =	sne.s32 s2, $0x0  }
0x43: {  	s3 =	rddreg [dreg:$0x2];
	[bflag:$0x3] =	sbarrier.arrive $0xFFFF;
	s2 =	simm.s32 @!p0 $0x1C02  }
0x44: {  	[timem:s3], [sflag:s2] =	dma.local @!p0 [hbm:s0], s1  }
0x45: {  	s0 =	simm.s32 @!p0 $0x2  }
0x46: {  	_ =	swait.ge @!p0 [sflag:s0], s1  }
0x47: {  	s1 =	ssub.s32 @!p0 $0x0, s1;
	[sflag:s0] =	ssyncset.done @!p0 $0x0  }
0x48: {  	[sflag:s0] =	ssyncadd.s32 @!p0 s1  }
0x49: {  	[bflag:$0x3] =	sbarrier.arrive $0xFFFF  }
0x4a: {  	_ =	shalt  }

// kernel: kernel.8.cloned.1.call-start
scs
__scs_entry_jumppad:
0x0: {  	(pc) =	sbr.rel $0x88, $3  }
0x1: {  	(tag) =	ssettag $0x0;
	lr =	simm.s32 $0x1  }
0x2: {  	[smem:$0x3F96] =	sst lr;
	_ =	strace $0xD0000000  }
0x3: {  	_ = 	snop  }
0x4: {  	_ = 	snop  }
0x5: {  	_ = 	snop  }
0x6: {  	_ = 	snop  }
0x7: {  	_ = 	snop  }
__scs_overlays_trampoline_lowered:
0x8: {  	[smem:$0x3FA5] =	sst s0  }
0x9: {  	[smem:$0x3FA6] =	sst s1  }
0xa: {  	[smem:$0x3FA7] =	sst s2  }
0xb: {  	[smem:$0x3FA8] =	sst s3  }
0xc: {  	[smem:$0x3FA9] =	sst s4  }
0xd: {  	[smem:$0x3FAA] =	sst s5  }
0xe: {  	[smem:$0x3FAB] =	sst s6  }
0xf: {  	[smem:$0x3FAC] =	sst s7  }
0x10: {  	[smem:$0x3FAD] =	sst s8  }
0x11: {  	[smem:$0x3FAE] =	sst s9;
	s0 =	simm.s32 @!p0 $0x0  }
0x12: {  	s1 =	sld [smem:$0x3F94];
	s0 =	simm.s32 @p0 $0x1  }
0x13: {  	[smem:$0x3FAF] =	sst s0;
	s0 =	simm.s32 @!p1 $0x0  }
0x14: {  	s2 =	sld [smem:$0x3F93];
	s0 =	simm.s32 @p1 $0x1  }
0x15: {  	[smem:$0x3FB0] =	sst s0;
	s0 =	simm.s32 @!p2 $0x0  }
0x16: {  	s3 =	sld [smem:$0x3FDB];
	s0 =	simm.s32 @p2 $0x1  }
0x17: {  	s4 =	simm.s32 $0x1BF5;
	[smem:$0x3FB2] =	sst s0  }
0x18: {  	s0 =	sld [smem:$0x3F95];
	_ =	swait.ge [sflag:s4], $0x0  }
0x19: {  	s7 =	sld [smem:$0x3F96]  }
0x1a: {  	s8 =	sadd.s32 $0xFFFFE003, lr  }
0x1b: {  	s9 =	sadd.s32 $0xFFFFFEF7, lr;
	s5 =	simm.s32 $0xFFFFFFFF;
	p2 =	slt.u32 s8, $0xFFFFF086  }
0x1c: {  	p1 =	slt.u32 s9, $0xF7A;
	s5 =	simm.s32 @!p2 $0x0  }
0x1d: {  	s5 =	simm.s32 @p1 $0x1;
	p0 =	seq.s32 s7, s2  }
0x1e: {  	s7 =	smul.u32 @!p0 $0xF7A, s2;
	p2 =	seq.s32 @!p0 s5, $0x0  }
0x1f: {  	s9 =	smul.u32 $0xF7A, s1;
	s8 =	simm.s32 @!p0 $0x1BF5;
	p2 =	por !p2, p0  }
0x20: {  	[sflag:s8] =	ssyncset.s32 @!p0 $0xFFFFF086;
	s6 =	sadd.s32 @!p0 s3, s7;
	s7 =	simm.s32 @!p0 $0x108  }
0x21: {  	s3 =	sadd.s32 s3, s9;
	s6 =	sadd.s32 @!p0 $0x88, s6;
	s7 =	simm.s32 @p2 $0x1082  }
0x22: {  	[simem:s7], [sflag:s8] =	dma.local @!p0 [hbm:s6], $0xF7A  }
0x23: {  	s9 =	sor.u32 $0xD0000000, s2;
	s6 =	simm.s32 $0x108;
	_ =	swait.ge @!p0 [sflag:s8], $0x0  }
0x24: {  	s3 =	sadd.s32 $0x88, s3;
	s6 =	simm.s32 @!p1 $0x1082;
	[sflag:s4] =	ssyncset.s32 $0xFFFFF086  }
0x25: {  	[simem:s6], [sflag:s4] =	dma.local [hbm:s3], $0xF7A  }
0x26: {  	[smem:$0x3F96] =	sst s1;
	(tag) =	ssettag s2;
	_ =	strace s9  }
0x27: {  	s1 =	sld [smem:$0x3FA6]  }
0x28: {  	s2 =	sld [smem:$0x3FA7]  }
0x29: {  	s4 =	sld [smem:$0x3FA9]  }
0x2a: {  	p0 =	seq.s32 s5, $0x0;
	s5 =	sld [smem:$0x3FAA]  }
0x2b: {  	s6 =	sld [smem:$0x3FAB]  }
0x2c: {  	s7 =	sld [smem:$0x3FAC]  }
0x2d: {  	s3 =	simm.s32 $0x108;
	s8 =	sld [smem:$0x3FAD]  }
0x2e: {  	s3 =	simm.s32 @!p0 $0x1082;
	s9 =	sld [smem:$0x3FAE]  }
0x2f: {  	lr =	sadd.s32 s0, s3;
	s0 =	sld [smem:$0x3FA5]  }
0x30: {  	s3 =	sld [smem:$0x3FA8]  }
0x31: {  	[smem:$0x3FB1] =	sst s10  }
0x32: {  	s10 =	sld [smem:$0x3FAF];
	_ =	sdelay $0x3  }
0x33: {  	p0 =	seq.s32 s10, $0x1;
	s10 =	sld [smem:$0x3FB1];
	_ =	sdelay $0x3  }
0x34: {  	[smem:$0x3FB1] =	sst s10  }
0x35: {  	s10 =	sld [smem:$0x3FB0];
	_ =	sdelay $0x3  }
0x36: {  	p1 =	seq.s32 s10, $0x1;
	s10 =	sld [smem:$0x3FB1];
	_ =	sdelay $0x3  }
0x37: {  	[smem:$0x3FB1] =	sst s10  }
0x38: {  	s10 =	sld [smem:$0x3FB2]  }
0x39: {  	_ = 	snop;
	(pc) =	sbr.ind lr, $3  }
0x3a: {  	_ = 	snop  }
0x3b: {  	_ = 	snop  }
0x3c: {  	p2 =	seq.s32 s10, $0x1;
	s10 =	sld [smem:$0x3FB1]  }
0x3d: {  	_ =	shalt  }
0x3e: {  	_ =	shalt  }
0x3f: {  	_ =	shalt  }
0x40: {  	_ =	shalt  }
0x41: {  	_ =	shalt  }
0x42: {  	_ =	shalt  }
0x43: {  	_ =	shalt  }
0x44: {  	_ =	shalt  }
0x45: {  	_ =	shalt  }
0x46: {  	_ =	shalt  }
0x47: {  	_ =	shalt  }
0x48: {  	_ =	shalt  }
0x49: {  	_ =	shalt  }
0x4a: {  	_ =	shalt  }
0x4b: {  	_ =	shalt  }
0x4c: {  	_ =	shalt  }
0x4d: {  	_ =	shalt  }
0x4e: {  	_ =	shalt  }
0x4f: {  	_ =	shalt  }
0x50: {  	_ =	shalt  }
0x51: {  	_ =	shalt  }
0x52: {  	_ =	shalt  }
0x53: {  	_ =	shalt  }
0x54: {  	_ =	shalt  }
0x55: {  	_ =	shalt  }
0x56: {  	_ =	shalt  }
0x57: {  	_ =	shalt  }
0x58: {  	_ =	shalt  }
0x59: {  	_ =	shalt  }
0x5a: {  	_ =	shalt  }
0x5b: {  	_ =	shalt  }
0x5c: {  	_ =	shalt  }
0x5d: {  	_ =	shalt  }
0x5e: {  	_ =	shalt  }
0x5f: {  	_ =	shalt  }
0x60: {  	_ =	shalt  }
0x61: {  	_ =	shalt  }
0x62: {  	_ =	shalt  }
0x63: {  	_ =	shalt  }
0x64: {  	_ =	shalt  }
0x65: {  	_ =	shalt  }
0x66: {  	_ =	shalt  }
0x67: {  	_ =	shalt  }
0x68: {  	_ =	shalt  }
0x69: {  	_ =	shalt  }
0x6a: {  	_ =	shalt  }
0x6b: {  	_ =	shalt  }
0x6c: {  	_ =	shalt  }
0x6d: {  	_ =	shalt  }
0x6e: {  	_ =	shalt  }
0x6f: {  	_ =	shalt  }
0x70: {  	_ =	shalt  }
0x71: {  	_ =	shalt  }
0x72: {  	_ =	shalt  }
0x73: {  	_ =	shalt  }
0x74: {  	_ =	shalt  }
0x75: {  	_ =	shalt  }
0x76: {  	_ =	shalt  }
0x77: {  	_ =	shalt  }
0x78: {  	_ =	shalt  }
0x79: {  	_ =	shalt  }
0x7a: {  	_ =	shalt  }
0x7b: {  	_ =	shalt  }
0x7c: {  	_ =	shalt  }
0x7d: {  	_ =	shalt  }
0x7e: {  	_ =	shalt  }
0x7f: {  	_ =	shalt  }
0x80: {  	_ =	shalt  }
0x81: {  	_ =	shalt  }
0x82: {  	_ =	shalt  }
0x83: {  	_ =	shalt  }
0x84: {  	_ =	shalt  }
0x85: {  	_ =	shalt  }
0x86: {  	_ =	shalt  }
0x87: {  	_ =	shalt  }
.Lfunc_end0:
.L_simem_size_0:
called_computation.1_lowered:
.L_overlay_start_0:
0x88: {  	s2 =	sld [smem:$0x3FD9]  }
0x89: {  	s3 =	sld [smem:$0x3FFE];
	_ =	sdelay $0x1  }
0x8a: {  	s1 =	srdreg.scid  }
0x8b: {  	s0 =	sand.u32 $0x1, s1  }
0x8c: {  	s17 =	sshll.u32 s0, $0xA;
	s2 =	sadd.s32 s3, s2  }
0x8d: {  	s2 =	sadd.s32 s2, s17  }
0x8e: {  	[smem:$0x3FBD] =	sst s2  }
0x8f: {  	_ = 	snop  }
0x90: {  	s2 =	sld [smem:$0x3FD0];
	(tm) =	ssettm $0x1  }
0x91: {  	s18 =	sld [smem:$0x3FFB];
	_ =	sdelay $0x3  }
0x92: {  	_ =	strace s18  }
0x93: {  	s3 =	sld [smem:$0x3FFC];
	_ =	sdelay $0x3  }
0x94: {  	_ =	strace s3  }
0x95: {  	s3 =	sld [smem:$0x3FFD];
	_ =	sdelay $0x3  }
0x96: {  	_ =	strace s3  }
0x97: {  	_ =	strace $0x8FFFFFFF  }
0x98: {  	s19 =	sld [smem:$0x3FDB];
	_ =	sdelay $0x1  }
0x99: {  	s4 =	simm.s32 $_scs_section_size  }
0x9a: {  	s5 =	simm.s32 $_size__tile_overlayer_lowered;
	s6 =	simm.s32 $_tile_overlayer_lowered  }
0x9b: {  	s22 =	simm.s32 $0x1BFF;
	s21 =	sshll.u32 s6, $0x1;
	s3 =	sadd.s32 s4, s19  }
0x9c: {  	s7 =	simm.s32 $0x0;
	s20 =	sshll.u32 s5, $0x1;
	s5 =	sadd.s32 s21, s3  }
0x9d: {  	[timem:s7], [sflag:s22] =	dma.local [hbm:s5], s20  }
0x9e: {  	_ =	swait.ge [sflag:s22], s20  }
0x9f: {  	s4 =	ssub.s32 $0x0, s20;
	[sflag:s22] =	ssyncset.done $0x0  }
0xa0: {  	[sflag:s22] =	ssyncadd.s32 s4;
	_ =	sdelay $0x1  }
0xa1: {  	s23 =	simm.s32 $0x1B8B  }
0xa2: {  	_ =	swait.ge [sflag:s23], $0x1  }
0xa3: {  	[sflag:s23] =	ssyncset.done $0x0  }
0xa4: {  	s25 =	simm.s32 $0x1B8E;
	s24 =	sld [smem:$0x3FFE];
	[sflag:s23] =	ssyncadd.s32 $0xFFFFFFFF  }
0xa5: {  	s26 =	simm.s32 $execute0_lowered;
	[smem:$0x3FD2] =	sst s25  }
0xa6: {  	s5 =	sshll.u32 s26, $0x1;
	_ =	strace $0x80000046;
	[dreg:$0x1] =	wrdreg $0xFFFFFFFF  }
0xa7: {  	s28 =	simm.s32 $_size_execute0_lowered;
	s3 =	sadd.s32 s3, s5;
	[dreg:$0x0] =	wrdreg $0x0  }
0xa8: {  	s5 =	sshll.u32 s28, $0x1;
	[dreg:$0x2] =	wrdreg s3  }
0xa9: {  	[dreg:$0x3] =	wrdreg s5  }
0xaa: {  	[dreg:$0x4] =	wrdreg $0xC0  }
0xab: {  	_ =	task [dreg:s7], $0x5FFFF  }
0xac: {  	[dreg:$0x1] =	wrdreg $0xFFFFFFFF  }
0xad: {  	[dreg:$0x0] =	wrdreg $0x60  }
0xae: {  	[dreg:$0x2] =	wrdreg s24  }
0xaf: {  	[dreg:$0x3] =	wrdreg s2  }
0xb0: {  	[dreg:$0x4] =	wrdreg $0x9  }
0xb1: {  	_ =	task.clear_ibuf [dreg:s7], $0x5FFFF;
	_ =	strace $0x90000046  }
0xb2: {  	s29 =	simm.s32 $0x9;
	_ =	strace $0x80000048  }
0xb3: {  	_ =	swait.ge [sflag:s29], $0x1  }
0xb4: {  	[sflag:s29] =	ssyncadd.s32 $0xFFFFFFFF  }
0xb5: {  	_ =	strace $0x90000048  }
0xb6: {  	_ =	sfence  }
0xb7: {  	s30 =	sld [smem:$0x0];
	_ =	sdelay $0x2  }
0xb8: {  	s31 =	sshll.u32 s1, $0xD;
	s1 =	sshrl.u32 s1, $0x2  }
0xb9: {  	s3 =	sand.u32 $0x4000, s31;
	s1 =	sadd.s32 s1, s30  }
0xba: {  	s0 =	sor.u32 s3, s0;
	s1 =	sshll.u32 s1, $0x11  }
0xbb: {  	s0 =	sor.u32 s1, s0  }
0xbc: {  	s0 =	sadd.s32 $0x8F2B, s0  }
0xbd: {  	[sflag:s0] =	ssyncadd.remote.s32 $0x1  }
0xbe: {  	_ =	sfence.sel $0xFFFF  }
0xbf: {  	[dreg:$0x0] =	wrdreg $0xFFFFFFFF;
	(pc) =	sbr.abs _section_cstart, $3  }
0xc0: {  	[dreg:$0x1] =	wrdreg $0xFFFFFFFF  }
0xc1: {  	_ =	task.clear_ibuf [dreg:s7], $0x2FFFF;
	_ =	strace $0x9FFFFFFF  }
0xc2: {  	(tm) =	ssettm $0x7FFFFFFF  }
0xc3: {  	_ =	shalt  }
tec
execute0_lowered:
.L_overlay_start_1:
0x0: {  	(tag) =	ssettag $0x1  }
0x1: {  	s6 =	rddreg [dreg:$0x0]  }
0x2: {  	s8 =	rddreg [dreg:$0x1]  }
0x3: {  	s0 =	rddreg [dreg:$0x2];
	s1 =	stileid.u32  }
0x4: {  	s2 =	simm.s32 $0x0;
	s3 =	srdreg.scid;
	s9 =	smul.u32 $0x2900, s1  }
0x5: {  	s16 =	simm.s32 $0x0;
	[smem:$0x7FF] =	sst s2;
	s26 =	smul.u32 $0x14800, s1  }
0x6: {  	s7 =	sand.u32 $0x1, s3;
	s3 =	sadd.s32 $0x4B800, s6;
	s11 =	smul.u32 $0x5200, s1  }
0x7: {  	s4 =	sadd.s32 $0x16B800, s6;
	s5 =	sadd.s32 $0x3800, s6;
	s10 =	smul.u32 $0x1480, s7  }
0x8: {  	_ =	strace $0x80000047;
	s12 =	ssub.s32 $0x2, s7;
	s14 =	smul.u32 $0x2900, s7  }
0x9: {  	s29 =	smul.u32 $0xA400, s7;
	s28 =	sshrl.u32 s12, $0x1;
	s11 =	sadd.s32 s11, s6  }
0xa: {  	s15 =	sadd.s32 s26, s6;
	s9 =	sadd.s32 s10, s9;
	s30 =	sadd.s32 s14, s11  }
0xb: {  	s31 =	sadd.s32 s29, s15;
	s10 =	sadd.s32 s26, s8;
	s11 =	simm.s32 $0x2  }
0xc: {  	s14 =	simm.s32 $0x4080;
	s15 =	simm.s32 $0x1;
	s9 =	sshrl.u32 s9, $0x3  }
0xd: {  	s7 =	sadd.s32 $0x3D8A00, s30;
	s13 =	sadd.s32 s9, s6;
	s9 =	ssub.s32 s12, s28  }
0xe: {  	s8 =	sadd.s32 $0x290A00, s31;
	s12 =	simm.s32 $0x80;
	s6 =	smax.u32 s9, $0x1  }
0xf: {  	s9 =	sadd.s32 s29, s10;
	s10 =	sadd.s32 $0x28B800, s13;
	s13 =	simm.s32 $0x2080  }
.LBB2_1:
0x10: {  	[tilespmem:s2], [sflag:$0x2] =	stream.linear.gather [hbm4b:s10+s2], $0x80, $0x38;
	[tilespmem:$0x4880] =	vst v63  }
0x11: {  	_ =	swait.ge [sflag:s11], $0x80  }
0x12: {  	[sflag:s11] =	ssyncset.done $0x0  }
0x13: {  	[sflag:s11] =	ssyncadd.s32 $0xFFFFFF80  }
0x14: {  	[tilespmem:s12], [sflag:$0x1] =	stream.indirect.gather [hbm4b:s3+s12], $0x40, s2, s12, $0xb8;
	[tilespmem:$0x4880] =	vst v63  }
0x15: {  	_ = 	snop  }
0x16: {  	[tilespmem:s13], [sflag:$0x1] =	stream.indirect.gather [hbm4b:s4+s12], $0x40, s2, s12, $0xb8;
	[tilespmem:$0x4880] =	vst v63  }
0x17: {  	_ = 	snop  }
0x18: {  	[tilespmem:s14], [sflag:$0x1] =	stream.indirect.gather [hbm4b:s5+s12], $0x10, s2, s12, $0xb8;
	[tilespmem:$0x4880] =	vst v63  }
0x19: {  	_ =	swait.ge [sflag:s15], $0x2000  }
0x1a: {  	[sflag:s15] =	ssyncset.done $0x0  }
0x1b: {  	[sflag:s15] =	ssyncadd.s32 $0xFFFFE000  }
0x1c: {  	_ =	swait.ge [sflag:s15], $0x2000  }
0x1d: {  	[sflag:s15] =	ssyncset.done $0x0  }
0x1e: {  	[sflag:s15] =	ssyncadd.s32 $0xFFFFE000  }
0x1f: {  	_ =	swait.ge [sflag:s15], $0x800  }
0x20: {  	[sflag:s15] =	ssyncset.done $0x0  }
0x21: {  	s17 =	sadd.s32 $0x0, s9;
	[sflag:s15] =	ssyncadd.s32 $0xFFFFF800  }
0x22: {  	[hbm4b:s17+s2] =	stream.linear.scatter [tilespmem:s12], [sflag:$0x2], $0x2000, $0x38;
	[tilespmem:$0x4880] =	vst v63  }
0x23: {  	_ =	swait.ge [sflag:s11], $0x2000  }
0x24: {  	[sflag:s11] =	ssyncset.done $0x0  }
0x25: {  	s31 =	sadd.s32 $0x0, s8;
	[sflag:s11] =	ssyncadd.s32 $0xFFFFE000  }
0x26: {  	[hbm4b:s31+s2] =	stream.linear.scatter [tilespmem:s13], [sflag:$0x2], $0x2000, $0x38;
	[tilespmem:$0x4880] =	vst v63  }
0x27: {  	_ =	swait.ge [sflag:s11], $0x2000  }
0x28: {  	[sflag:s11] =	ssyncset.done $0x0  }
0x29: {  	[sflag:s11] =	ssyncadd.s32 $0xFFFFE000  }
0x2a: {  	[hbm4b:s7+s2] =	stream.linear.scatter [tilespmem:s14], [sflag:$0x2], $0x800, $0x38;
	[tilespmem:$0x4880] =	vst v63  }
0x2b: {  	s18 =	smov.u32 s7;
	_ =	swait.ge [sflag:s11], $0x800  }
0x2c: {  	s19 =	smov.u32 s10;
	s17 =	simm.s32 $0x400;
	[sflag:s11] =	ssyncset.done $0x0  }
.LBB2_2:
0x2d: {  	[sflag:s11] =	ssyncadd.s32 $0xFFFFF800  }
0x2e: {  	s18 =	sadd.s32 $0x100, s18;
	s19 =	sadd.s32 $0x10, s19;
	s20 =	smov.u32 s17  }
0x2f: {  	[tilespmem:s2], [sflag:$0x2] =	stream.linear.gather [hbm4b:s19+s2], $0x80, $0x38;
	[tilespmem:$0x4880] =	vst v63  }
0x30: {  	p0 =	sne.s32 s17, $0xA000;
	s17 =	sadd.s32 $0x400, s17;
	_ =	swait.ge [sflag:s11], $0x80  }
0x31: {  	[sflag:s11] =	ssyncset.done $0x0  }
0x32: {  	[sflag:s11] =	ssyncadd.s32 $0xFFFFFF80  }
0x33: {  	[tilespmem:s12], [sflag:$0x1] =	stream.indirect.gather [hbm4b:s3+s12], $0x40, s2, s12, $0xb8;
	[tilespmem:$0x4880] =	vst v63  }
0x34: {  	_ = 	snop  }
0x35: {  	[tilespmem:s13], [sflag:$0x1] =	stream.indirect.gather [hbm4b:s4+s12], $0x40, s2, s12, $0xb8;
	[tilespmem:$0x4880] =	vst v63  }
0x36: {  	_ = 	snop  }
0x37: {  	[tilespmem:s14], [sflag:$0x1] =	stream.indirect.gather [hbm4b:s5+s12], $0x10, s2, s12, $0xb8;
	[tilespmem:$0x4880] =	vst v63  }
0x38: {  	_ =	swait.ge [sflag:s15], $0x2000  }
0x39: {  	[sflag:s15] =	ssyncset.done $0x0  }
0x3a: {  	[sflag:s15] =	ssyncadd.s32 $0xFFFFE000  }
0x3b: {  	_ =	swait.ge [sflag:s15], $0x2000  }
0x3c: {  	[sflag:s15] =	ssyncset.done $0x0  }
0x3d: {  	[sflag:s15] =	ssyncadd.s32 $0xFFFFE000  }
0x3e: {  	_ =	swait.ge [sflag:s15], $0x800  }
0x3f: {  	[sflag:s15] =	ssyncset.done $0x0  }
0x40: {  	s21 =	sadd.s32 s20, s9;
	[sflag:s15] =	ssyncadd.s32 $0xFFFFF800  }
0x41: {  	[hbm4b:s21+s2] =	stream.linear.scatter [tilespmem:s12], [sflag:$0x2], $0x2000, $0x38;
	[tilespmem:$0x4880] =	vst v63  }
0x42: {  	_ =	swait.ge [sflag:s11], $0x2000  }
0x43: {  	[sflag:s11] =	ssyncset.done $0x0  }
0x44: {  	s20 =	sadd.s32 s20, s8;
	[sflag:s11] =	ssyncadd.s32 $0xFFFFE000  }
0x45: {  	[hbm4b:s20+s2] =	stream.linear.scatter [tilespmem:s13], [sflag:$0x2], $0x2000, $0x38;
	[tilespmem:$0x4880] =	vst v63  }
0x46: {  	_ =	swait.ge [sflag:s11], $0x2000  }
.Ltmp0:
0x47: {  	[sflag:s11] =	ssyncset.done $0x0;
	(pc) =	sbr.rel @p0 .LBB2_2-.Ltmp0, $4  }
0x48: {  	[sflag:s11] =	ssyncadd.s32 $0xFFFFE000  }
0x49: {  	[hbm4b:s18+s2] =	stream.linear.scatter [tilespmem:s14], [sflag:$0x2], $0x800, $0x38;
	[tilespmem:$0x4880] =	vst v63  }
0x4a: {  	_ =	swait.ge [sflag:s11], $0x800  }
0x4b: {  	[sflag:s11] =	ssyncset.done $0x0  }
0x4c: {  	s16 =	sadd.s32 $0x1, s16  }
0x4d: {  	p0 =	sne.s32 s16, s6  }
.Ltmp1:
0x4e: {  	_ = 	snop;
	(pc) =	sbr.rel @p0 .LBB2_1-.Ltmp1, $2  }
0x4f: {  	_ =	sdelay $0x2  }
0x50: {  	[sflag:s11] =	ssyncadd.s32 $0xFFFFF800  }
0x51: {  	_ =	sfence.sel $0x180000  }
0x52: {  	[bflag:$0x0] =	sbarrier.arrive $0xFFFF  }
0x53: {  	p0 =	sne.s32 s1, $0x0;
	_ =	strace $0x90000047  }
0x54: {  	s0 =	sadd.s32 @!p0 $0x100000, s0;
	[bflag:$0x2] =	sbarrier.arrive $0xFFFF  }
0x55: {  	[sflag:s0] =	ssyncadd.tile.s32 @!p0 $0x1;
	_ =	shalt  }
.Lfunc_end2:
_tile_overlayer_lowered:
.L_overlay_start_2:
0x56: {  	(tag) =	ssettag $0x2  }
0x57: {  	s0 =	rddreg [dreg:$0x0];
	s2 =	stileid.u32  }
0x58: {  	s1 =	rddreg [dreg:$0x1];
	p0 =	sne.s32 s2, $0x0  }
0x59: {  	s3 =	rddreg [dreg:$0x2];
	[bflag:$0x3] =	sbarrier.arrive $0xFFFF;
	s2 =	simm.s32 @!p0 $0x1C02  }
0x5a: {  	[timem:s3], [sflag:s2] =	dma.local @!p0 [hbm:s0], s1  }
0x5b: {  	s0 =	simm.s32 @!p0 $0x2  }
0x5c: {  	_ =	swait.ge @!p0 [sflag:s0], s1  }
0x5d: {  	s1 =	ssub.s32 @!p0 $0x0, s1;
	[sflag:s0] =	ssyncset.done @!p0 $0x0  }
0x5e: {  	[sflag:s0] =	ssyncadd.s32 @!p0 s1  }
0x5f: {  	[bflag:$0x3] =	sbarrier.arrive $0xFFFF  }
0x60: {  	_ =	shalt  }

// kernel: sparse-core-data-format-call.cloned.1.call-start
scs
called_computation_lowered:
.L_overlay_start_0:
0x0: {  	s2 =	sld [smem:$0x3FD9]  }
0x1: {  	s3 =	sld [smem:$0x3FFE];
	_ =	sdelay $0x1  }
0x2: {  	s1 =	srdreg.scid  }
0x3: {  	s0 =	sand.u32 $0x1, s1  }
0x4: {  	s18 =	sshll.u32 s0, $0xA;
	s2 =	sadd.s32 s3, s2  }
0x5: {  	s2 =	sadd.s32 s2, s18  }
0x6: {  	[smem:$0x3FBD] =	sst s2  }
0x7: {  	_ = 	snop  }
0x8: {  	s2 =	sld [smem:$0x3FD0];
	(tm) =	ssettm $0x1  }
0x9: {  	s19 =	sld [smem:$0x3FFB];
	_ =	sdelay $0x3  }
0xa: {  	_ =	strace s19  }
0xb: {  	s3 =	sld [smem:$0x3FFC];
	_ =	sdelay $0x3  }
0xc: {  	_ =	strace s3  }
0xd: {  	s3 =	sld [smem:$0x3FFD];
	_ =	sdelay $0x3  }
0xe: {  	_ =	strace s3  }
0xf: {  	_ =	strace $0x8FFFFFFF  }
0x10: {  	s20 =	sld [smem:$0x3FDB];
	_ =	sdelay $0x1  }
0x11: {  	s4 =	simm.s32 $_scs_section_size  }
0x12: {  	s5 =	simm.s32 $_size__tile_overlayer_lowered;
	s6 =	simm.s32 $_tile_overlayer_lowered  }
0x13: {  	s23 =	simm.s32 $0x1BFF;
	s22 =	sshll.u32 s6, $0x1;
	s3 =	sadd.s32 s4, s20  }
0x14: {  	s7 =	simm.s32 $0x0;
	s21 =	sshll.u32 s5, $0x1;
	s5 =	sadd.s32 s22, s3  }
0x15: {  	[timem:s7], [sflag:s23] =	dma.local [hbm:s5], s21  }
0x16: {  	_ =	swait.ge [sflag:s23], s21  }
0x17: {  	s4 =	ssub.s32 $0x0, s21;
	[sflag:s23] =	ssyncset.done $0x0  }
0x18: {  	[sflag:s23] =	ssyncadd.s32 s4;
	_ =	sdelay $0x1  }
0x19: {  	s24 =	simm.s32 $0x1B8B  }
0x1a: {  	_ =	swait.ge [sflag:s24], $0x1  }
0x1b: {  	[sflag:s24] =	ssyncset.done $0x0  }
0x1c: {  	s26 =	simm.s32 $0x1B8E;
	s25 =	sld [smem:$0x3FFE];
	[sflag:s24] =	ssyncadd.s32 $0xFFFFFFFF  }
0x1d: {  	s27 =	simm.s32 $execute0_lowered;
	[smem:$0x3FD2] =	sst s26  }
0x1e: {  	s5 =	sshll.u32 s27, $0x1;
	_ =	strace $0x8000004C;
	[dreg:$0x1] =	wrdreg $0xFFFFFFFF  }
0x1f: {  	s28 =	simm.s32 $_size_execute0_lowered;
	s3 =	sadd.s32 s3, s5;
	[dreg:$0x0] =	wrdreg $0x0  }
0x20: {  	s5 =	sshll.u32 s28, $0x1;
	[dreg:$0x2] =	wrdreg s3  }
0x21: {  	[dreg:$0x3] =	wrdreg s5  }
0x22: {  	[dreg:$0x4] =	wrdreg $0xC0  }
0x23: {  	_ =	task [dreg:s7], $0x5FFFF  }
0x24: {  	[dreg:$0x1] =	wrdreg $0xFFFFFFFF  }
0x25: {  	[dreg:$0x0] =	wrdreg $0x60  }
0x26: {  	[dreg:$0x2] =	wrdreg s2  }
0x27: {  	[dreg:$0x3] =	wrdreg s25  }
0x28: {  	[dreg:$0x4] =	wrdreg $0x9  }
0x29: {  	_ =	task.clear_ibuf [dreg:s7], $0x5FFFF;
	_ =	strace $0x9000004C  }
0x2a: {  	s29 =	simm.s32 $0x9;
	_ =	strace $0x8000004E  }
0x2b: {  	_ =	swait.ge [sflag:s29], $0x1  }
0x2c: {  	[sflag:s29] =	ssyncadd.s32 $0xFFFFFFFF  }
0x2d: {  	_ =	strace $0x9000004E  }
0x2e: {  	_ =	sfence  }
0x2f: {  	s30 =	sld [smem:$0x0];
	_ =	sdelay $0x2  }
0x30: {  	s31 =	sshll.u32 s1, $0xD;
	s1 =	sshrl.u32 s1, $0x2  }
0x31: {  	s3 =	sand.u32 $0x4000, s31;
	s1 =	sadd.s32 s1, s30  }
0x32: {  	s0 =	sor.u32 s3, s0;
	s1 =	sshll.u32 s1, $0x11  }
0x33: {  	s0 =	sor.u32 s1, s0  }
0x34: {  	s0 =	sadd.s32 $0x8F2B, s0  }
0x35: {  	[sflag:s0] =	ssyncadd.remote.s32 $0x1  }
0x36: {  	_ =	sfence.sel $0xFFFF  }
0x37: {  	[dreg:$0x0] =	wrdreg $0xFFFFFFFF;
	(pc) =	sbr.abs _section_cstart, $3  }
0x38: {  	[dreg:$0x1] =	wrdreg $0xFFFFFFFF  }
0x39: {  	_ =	task.clear_ibuf [dreg:s7], $0x2FFFF;
	_ =	strace $0x9FFFFFFF  }
0x3a: {  	(tm) =	ssettm $0x7FFFFFFF  }
0x3b: {  	_ =	shalt  }
tec
execute0_lowered:
.L_overlay_start_1:
0x0: {  	(tag) =	ssettag $0x1  }
0x1: {  	s0 =	srdreg.scid  }
0x2: {  	s1 =	sshll.u32 s0, $0x4  }
0x3: {  	s0 =	stileid.u32;
	s1 =	sand.u32 $0x10, s1  }
0x4: {  	s3 =	rddreg [dreg:$0x0];
	s1 =	sor.u32 s0, s1  }
0x5: {  	s6 =	rddreg [dreg:$0x1];
	s7 =	simm.s32 $0x2;
	s2 =	sshll.u32 s1, $0x1  }
0x6: {  	s14 =	simm.s32 $0x0;
	s9 =	simm.s32 $0xC00;
	s1 =	ssub.s32 $0x180, s2  }
0x7: {  	s13 =	simm.s32 $0x0;
	s10 =	simm.s32 $0x0;
	s4 =	sand.u32 $0x3E, s1  }
0x8: {  	s12 =	simm.s32 $0x0;
	p0 =	sne.s32 s4, $0x0;
	s4 =	simm.s32 $0x1  }
.Ltmp0:
0x9: {  	s5 =	sshrl.u32 s1, $0x6;
	s4 =	simm.s32 @!p0 $0x0;
	(pc) =	sbr.rel .LBB1_1-.Ltmp0, $4  }
0xa: {  	s6 =	sadd.s32 $0x3800, s6;
	s1 =	rddreg [dreg:$0x2];
	s5 =	sadd.s32 s4, s5  }
0xb: {  	_ =	strace $0x8000004D;
	s4 =	simm.s32 $0x1;
	s5 =	smul.u32 $0x3, s5  }
0xc: {  	s11 =	smov.u32 s2;
	p0 =	por $0x0, $0x0;
	[sflag:s4] =	ssyncpa.u1 $0x0  }
0xd: {  	[sflag:s7] =	ssyncpa.u1 $0x0;
	s7 =	sadd.s32 $0x1800, s3;
	s8 =	sadd.s32 $0x1, s5  }
.LBB1_7:
0xe: {  	s15 =	sadd.s32 $0x80, s10  }
0xf: {  	s13 =	sadd.s32 $0x40, s11;
	s17 =	smov.u32 s11;
	p2 =	sgt.s32 s15, $0x17F  }
0x10: {  	s17 =	smov.u32 @p2 s13  }
0x11: {  	s15 =	simm.s32 @p2 $0x0;
	p2 =	sgt.s32 s17, $0x17F  }
0x12: {  	s17 =	smov.u32 @p2 s2;
	p2 =	sne.s32 s12, s8  }
.Ltmp1:
0x13: {  	p1 =	slt.u32 s12, $0x2;
	(pc) =	sbr.rel @!p2 .LBB1_8-.Ltmp1, $4  }
0x14: {  	s16 =	simm.s32 @!p1 $0x2  }
0x15: {  	s14 =	smov.u32 s10;
	p0 =	por !p0, !p0;
	_ =	swait.ge @!p1 [sflag:s16], $0x4000  }
0x16: {  	s13 =	smov.u32 s11;
	[sflag:s16] =	ssyncset.done @!p1 $0x0;
	s10 =	smov.u32 s15  }
0x17: {  	s12 =	sadd.s32 $0x1, s12;
	[sflag:s16] =	ssyncadd.s32 @!p1 $0xFFFFC000;
	s11 =	smov.u32 s17  }
.LBB1_1:
0x18: {  	p1 =	sge.u32 s12, s5  }
0x19: {  	s15 =	sand.u32 @!p1 $0x1FFFFFF, s10  }
0x1a: {  	s16 =	smulhi.u32 @!p1 $0xAAAAAB, s15;
	_ =	sdelay $0x1  }
0x1b: {  	s16 =	smul.u32 @!p1 $0x180, s16  }
0x1c: {  	s17 =	sxor.u32 @!p1 $0xFFFFFFFF, s12;
	s18 =	smul.u32 @!p1 $0x1800, s11  }
0x1d: {  	s17 =	sshll.u32 @!p1 s17, $0xE;
	s15 =	ssub.s32 @!p1 s15, s16  }
0x1e: {  	s16 =	sand.u32 @!p1 $0x4000, s17;
	s17 =	sadd.s32 @!p1 s3, s18;
	s15 =	sshll.u32 @!p1 s15, $0x4  }
0x1f: {  	s19 =	simm.s32 @!p1 $0x40;
	s20 =	simm.s32 @!p1 $0x80;
	s17 =	sadd.s32 @!p1 s15, s17  }
0x20: {  	[tilespmem:s16], [sflag:$0x1] =	stream.strided.gather @!p1 [hbm4b:s17+s19], $0x2000, s20, s19, $0x38;
	[tilespmem:$0x10100] =	vst v63  }
0x21: {  	s17 =	sadd.s32 @!p1 s18, s7  }
0x22: {  	s31 =	sadd.s32 $0xFFFFFFFF, s12;
	s16 =	sor.u32 @!p1 $0x2000, s16;
	s15 =	sadd.s32 @!p1 s15, s17  }
0x23: {  	[tilespmem:s16], [sflag:$0x1] =	stream.strided.gather @!p1 [hbm4b:s15+s19], $0x2000, s20, s19, $0x38;
	[tilespmem:$0x10100] =	vst v63  }
0x24: {  	p1 =	sge.u32 s31, s5  }
.Ltmp2:
0x25: {  	_ = 	snop;
	(pc) =	sbr.rel @p1 .LBB1_7-.Ltmp2, $1  }
0x26: {  	_ =	sdelay $0x3  }
0x27: {  	s15 =	simm.s32 $0x1;
	s17 =	sand.u32 $0x1, s12  }
0x28: {  	_ =	swait.ge [sflag:s4], $0x4000;
	s15 =	simm.s32 @!p0 $0x0;
	s17 =	smul.u32 $0x10200, s17  }
0x29: {  	p2 =	por $0x1, $0x1;
	[sflag:s4] =	ssyncset.done $0x0;
	s16 =	smul.u32 $0x10200, s15  }
0x2a: {  	s18 =	sshll.u32 s15, $0x10;
	[sflag:s4] =	ssyncadd.s32 $0xFFFFC000;
	s30 =	sshrl.u32 s17, $0x2  }
0x2b: {  	s31 =	sshrl.u32 s18, $0x2;
	s18 =	simm.s32 $0x0;
	s16 =	sshrl.u32 s16, $0x2  }
0x2c: {  	s15 =	sor.u32 $0x8000, s30;
	s17 =	sadd.s32 $0x20, s31;
	s16 =	sor.u32 $0x8000, s16  }
.LBB1_3:
0x2d: {  	s19 =	sshll.u32 s18, $0xD  }
0x2e: {  	s19 =	sand.u32 $0x3FFFE000, s19  }
0x2f: {  	s21 =	sadd.s32 s19, s17  }
0x30: {  	s31 =	smul.u32 $0x8100, s18;
	v3 =	vld [tilespmem:s21+$0x10]  }
0x31: {  	v1 =	vld [tilespmem:s21+$0xFFFFFFF0]  }
0x32: {  	s18 =	sshra.s32 s31, $0x2;
	v0 =	vld [tilespmem:s21+$0x0]  }
0x33: {  	s18 =	sadd.s32 s18, s16;
	v2 =	vld [tilespmem:s21+$0xFFFFFFE0]  }
0x34: {  	s19 =	sadd.s32 $0x0, s18  }
0x35: {  	p1 =	por p2, p2;
	s20 =	simm.s32 $0x4;
	s21 =	sadd.s32 $0x40, s21;
	[tilespmem:s19+$0x1830 ss:$0x81] =	vst.msk $0xffff, v3  }
.LBB1_4:
0x36: {  	v3 =	vld [tilespmem:s21+$0x10];
	p2 =	sne.s32 s20, $0x1FC;
	[tilespmem:s19+$0x810 ss:$0x81] =	vst.msk $0xffff, v1;
	s22 =	smov.u32 s20;
	s20 =	sadd.s32 $0x4, s20  }
.Ltmp3:
0x37: {  	v1 =	vld [tilespmem:s21+$0xFFFFFFF0];
	[tilespmem:s19+$0x1020 ss:$0x81] =	vst.msk $0xffff, v0;
	(pc) =	sbr.rel @p2 .LBB1_4-.Ltmp3, $4  }
0x38: {  	v0 =	vld [tilespmem:s21+$0x0];
	[tilespmem:s19+$0x0 ss:$0x81] =	vst.msk $0xffff, v2  }
0x39: {  	s19 =	sshra.s32 s22, $0x2;
	v2 =	vld [tilespmem:s21+$0xFFFFFFE0]  }
0x3a: {  	s19 =	sadd.s32 s19, s18  }
0x3b: {  	s21 =	sadd.s32 $0x40, s21;
	[tilespmem:s19+$0x1830 ss:$0x81] =	vst.msk $0xffff, v3  }
.Ltmp4:
0x3c: {  	(pc) =	sbr.rel @p1 .LBB1_3-.Ltmp4, $4  }
0x3d: {  	_ = 	snop  }
0x3e: {  	[tilespmem:s19+$0x810 ss:$0x81] =	vst.msk $0xffff, v1  }
0x3f: {  	[tilespmem:s19+$0x1020 ss:$0x81] =	vst.msk $0xffff, v0  }
0x40: {  	s18 =	simm.s32 $0x1;
	p2 =	por $0x0, $0x0;
	[tilespmem:s19+$0x0 ss:$0x81] =	vst.msk $0xffff, v2  }
0x41: {  	s16 =	sshll.u32 s14, $0x3  }
0x42: {  	s29 =	sand.u32 $0x7F, s14;
	s16 =	sand.u32 $0xFFFFFC00, s16  }
0x43: {  	s14 =	sor.u32 s29, s16;
	s16 =	smulhi.u32 $0xAAAAAAAB, s16  }
0x44: {  	s17 =	smulhi.u32 $0xAAAAAAAB, s14;
	_ =	sdelay $0x1  }
0x45: {  	s13 =	smul.u32 $0xC00, s13;
	s16 =	sshrl.u32 s16, $0x8;
	s17 =	sshrl.u32 s17, $0x8  }
0x46: {  	s16 =	sand.u32 $0x3F, s16;
	s17 =	smul.u32 $0x180, s17  }
0x47: {  	s16 =	smul.u32 $0x30, s16  }
.Ltmp5:
0x48: {  	s14 =	ssub.s32 s14, s17;
	(pc) =	sbr.rel .LBB1_7-.Ltmp5, $4  }
0x49: {  	s13 =	sadd.s32 s6, s13;
	s17 =	sand.u32 $0x7, s14  }
0x4a: {  	s13 =	sadd.s32 s16, s13;
	s14 =	sshrl.u32 s14, $0x3;
	s30 =	sshll.u32 s17, $0x12  }
0x4b: {  	s13 =	sadd.s32 s14, s13;
	s31 =	sor.u32 $0x400, s30  }
0x4c: {  	[hbm4b:s13+s31] =	stream.strided.scatter [tilespmem:s15], [sflag:$0x2], $0x4000, s9, s31, $0x20;
	[tilespmem:$0x10100] =	vst v63  }
.LBB1_8:
0x4d: {  	_ =	sfence.sel $0x180000  }
0x4e: {  	s2 =	simm.s32 $0x1;
	[bflag:$0x0] =	sbarrier.arrive $0xFFFF  }
0x4f: {  	s31 =	simm.s32 $0x2;
	[sflag:s2] =	ssyncpa.u1 $0x1  }
0x50: {  	[sflag:s31] =	ssyncpa.u1 $0x1  }
0x51: {  	p0 =	sne.s32 s0, $0x0;
	_ =	strace $0x9000004D  }
0x52: {  	s0 =	sadd.s32 @!p0 $0x100000, s1;
	[bflag:$0x2] =	sbarrier.arrive $0xFFFF  }
0x53: {  	[sflag:s0] =	ssyncadd.tile.s32 @!p0 $0x1;
	_ =	shalt  }
.Lfunc_end1:
_tile_overlayer_lowered:
.L_overlay_start_2:
0x54: {  	(tag) =	ssettag $0x2  }
0x55: {  	s0 =	rddreg [dreg:$0x0];
	s2 =	stileid.u32  }
0x56: {  	s1 =	rddreg [dreg:$0x1];
	p0 =	sne.s32 s2, $0x0  }
0x57: {  	s3 =	rddreg [dreg:$0x2];
	[bflag:$0x3] =	sbarrier.arrive $0xFFFF;
	s2 =	simm.s32 @!p0 $0x1C01  }
0x58: {  	[timem:s3], [sflag:s2] =	dma.local @!p0 [hbm:s0], s1  }
0x59: {  	s0 =	simm.s32 @!p0 $0x1  }
0x5a: {  	_ =	swait.ge @!p0 [sflag:s0], s1  }
0x5b: {  	s1 =	ssub.s32 @!p0 $0x0, s1;
	[sflag:s0] =	ssyncset.done @!p0 $0x0  }
0x5c: {  	[sflag:s0] =	ssyncadd.s32 @!p0 s1  }
0x5d: {  	[bflag:$0x3] =	sbarrier.arrive $0xFFFF  }
0x5e: {  	_ =	shalt  }

</sc_bundles>
